<compile_context>
chip_gen: v7x
topology: tpu7x:2x2x1
jax: 0.10.2.dev20260603
libtpu: 0.0.44.dev20260713+nightly
codegen_flags: <defaults>
</compile_context>

<pallas_src>
import functools

import jax
import jax.numpy as jnp
from jax import lax
from jax.experimental import pallas as pl
from jax.experimental.pallas import tpu as pltpu
from jax.experimental.pallas import tpu_sc as plsc

_NCHUNK = 4




def _make_route(B, E, K):
    info = plsc.get_sparse_core_info()
    nw = info.num_cores * info.num_subcores
    lanes = info.num_lanes
    tpw = B // nw

    @functools.partial(
        pl.kernel,
        out_type=jax.ShapeDtypeStruct((B * E,), jnp.float32),
        mesh=plsc.VectorSubcoreMesh(core_axis_name="c", subcore_axis_name="s"),
        scratch_types=[
            pltpu.VMEM((K * tpw,), jnp.int32),
            pltpu.VMEM((K * tpw,), jnp.float32),
            pltpu.VMEM((tpw * E,), jnp.float32),
        ],
        compiler_params=pltpu.CompilerParams(needs_layout_passes=False),
    )
    def _route(idx_hbm, wt_hbm, c_hbm, idx_v, wt_v, c_v):
        wid = lax.axis_index("s") * info.num_cores + lax.axis_index("c")
        base = wid * tpw
        pltpu.sync_copy(idx_hbm.at[pl.ds(base * K, tpw * K)], idx_v)
        pltpu.sync_copy(wt_hbm.at[pl.ds(base * K, tpw * K)], wt_v)
        for i in range(tpw * E // lanes):
            c_v[pl.ds(i * lanes, lanes)] = jnp.zeros((lanes,), jnp.float32)
        lane_slot = jax.lax.rem(lax.iota(jnp.int32, lanes),
                                jnp.int32(K))
        for v in range(tpw * K // lanes):
            e = idx_v[pl.ds(v * lanes, lanes)]
            w = wt_v[pl.ds(v * lanes, lanes)]
            bl = lax.iota(jnp.int32, lanes) // K + (v * (lanes // K))
            tgt = bl * E + e
            for k in range(K):
                plsc.addupdate_scatter(c_v, [tgt], w, mask=lane_slot == k)
        pltpu.sync_copy(c_v, c_hbm.at[pl.ds(base * E, tpw * E)])

    return _route




def _moe_body(c_ref, x_hbm, w_ref, b_ref, o_hbm,
              xb_ref, acc_ref, wb_ref, xstage_ref, xsem, osem):
    e = pl.program_id(0)
    n_experts = b_ref.shape[0]
    bt = c_ref.shape[0]
    ct = bt // _NCHUNK

    wb_ref[...] = w_ref[0].astype(jnp.bfloat16)

    onehot = (jax.lax.broadcasted_iota(jnp.int32, (n_experts, 1), 0) == e
              ).astype(jnp.float32)

    @pl.when(e == 0)
    def _load_x_and_init():
        for t in range(_NCHUNK):
            pltpu.make_async_copy(
                x_hbm.at[pl.ds(t * ct, ct), :], xstage_ref.at[t], xsem.at[t]
            ).start()
        for t in range(_NCHUNK):
            pltpu.make_async_copy(
                x_hbm.at[pl.ds(t * ct, ct), :], xstage_ref.at[t], xsem.at[t]
            ).wait()
            xb_ref[t] = xstage_ref[t].astype(jnp.bfloat16)
            ce = jax.lax.dot(c_ref[pl.ds(t * ct, ct), :], onehot,
                             preferred_element_type=jnp.float32)
            y = jax.lax.dot(xb_ref[t], wb_ref[...],
                            preferred_element_type=jnp.float32)
            bias_t = jax.lax.dot(c_ref[pl.ds(t * ct, ct), :],
                                 b_ref[...].astype(jnp.float32),
                                 preferred_element_type=jnp.float32)
            acc_ref[t] = bias_t + ce * y

    @pl.when(jnp.logical_and(e > 0, e < n_experts - 1))
    def _accumulate():
        for t in range(_NCHUNK):
            ce = jax.lax.dot(c_ref[pl.ds(t * ct, ct), :], onehot,
                             preferred_element_type=jnp.float32)
            y = jax.lax.dot(xb_ref[t], wb_ref[...],
                            preferred_element_type=jnp.float32)
            acc_ref[t] = acc_ref[t] + ce * y

    @pl.when(e == n_experts - 1)
    def _final_and_drain():
        for t in range(_NCHUNK):
            ce = jax.lax.dot(c_ref[pl.ds(t * ct, ct), :], onehot,
                             preferred_element_type=jnp.float32)
            y = jax.lax.dot(xb_ref[t], wb_ref[...],
                            preferred_element_type=jnp.float32)
            acc_ref[t] = acc_ref[t] + ce * y
            pltpu.make_async_copy(
                acc_ref.at[t], o_hbm.at[pl.ds(t * ct, ct), :], osem.at[t]
            ).start()
        for t in range(_NCHUNK):
            pltpu.make_async_copy(
                acc_ref.at[t], o_hbm.at[pl.ds(t * ct, ct), :], osem.at[t]
            ).wait()


def kernel(x, topk_idx, weights, W, bias):
    B, D = x.shape
    E, _, DOUT = W.shape
    K = topk_idx.shape[1]
    CT = B // _NCHUNK

    idx_flat = topk_idx.astype(jnp.int32).reshape(-1)
    wt_flat = weights.reshape(-1)
    c = _make_route(B, E, K)(idx_flat, wt_flat).reshape(B, E)

    out = pl.pallas_call(
        _moe_body,
        grid=(E,),
        in_specs=[
            pl.BlockSpec((B, E), lambda e: (0, 0)),
            pl.BlockSpec(memory_space=pl.ANY),
            pl.BlockSpec((1, D, DOUT), lambda e: (e, 0, 0)),
            pl.BlockSpec((E, DOUT), lambda e: (0, 0)),
        ],
        out_specs=pl.BlockSpec(memory_space=pl.ANY),
        out_shape=jax.ShapeDtypeStruct((B, DOUT), jnp.float32),
        scratch_shapes=[
            pltpu.VMEM((_NCHUNK, CT, D), jnp.bfloat16),
            pltpu.VMEM((_NCHUNK, CT, DOUT), jnp.float32),
            pltpu.VMEM((D, DOUT), jnp.bfloat16),
            pltpu.VMEM((_NCHUNK, CT, D), jnp.float32),
            pltpu.SemaphoreType.DMA((_NCHUNK,)),
            pltpu.SemaphoreType.DMA((_NCHUNK,)),
        ],
        compiler_params=pltpu.CompilerParams(
            vmem_limit_bytes=100 * 1024 * 1024,
        ),
    )(c, x, W, bias)
    return out

# --- scband reference (transcript-rebuilt; emitter-appended) ---
"""Pipeline reference for scband-gating-network-14516989460789 (READ-ONLY COPY).

The authoritative reference and input builder live on the scoring server;
editing this copy changes nothing except your own understanding.
"""

import jax, jax.numpy as jnp
import numpy as np

B, D, DOUT, E, K = 2048, 768, 768, 8, 2

def setup_inputs(seed: int = 0) -> dict:
    key = jax.random.key(seed)
    k1, k2, k3, k4, k5 = jax.random.split(key, 5)
    x = jax.random.normal(k1, (B, D), dtype=jnp.float32)
    topk_idx = jax.random.randint(k2, (B, K), 0, E, dtype=jnp.int64)
    weights = jax.random.uniform(k3, (B, K), dtype=jnp.float32)
    # expert parameters: E linear layers, each Linear(D, DOUT)
    W = jax.random.normal(k4, (E, D, DOUT), dtype=jnp.float32) * 0.02
    bias = jax.random.normal(k5, (E, DOUT), dtype=jnp.float32) * 0.02
    return {"x": x, "topk_idx": topk_idx, "weights": weights, "W": W, "bias": bias}

def reference(x, topk_idx, weights, W, bias):
    # Faithful translation of GatingNetwork.forward:
    # out = zeros(B, output_size)
    # for i in range(k): for e in range(E): sel = topk_idx[:, i] == e;
    #     out[sel] += weights[sel, i, None] * expert_e(x[sel])
    # Dynamic boolean gather is replaced by dense compute + where-mask
    # (same math: rows not selected contribute exactly zero).
    out = jnp.zeros((x.shape[0], W.shape[2]), dtype=x.dtype)
    n_experts = W.shape[0]
    k = topk_idx.shape[1]
    for e in range(n_experts):
        y = x @ W[e] + bias[e]  # expert e applied to every token
        for i in range(k):
            sel = (topk_idx[:, i] == e)
            out = out + jnp.where(sel[:, None], weights[:, i][:, None] * y, jnp.zeros_like(y))
    return out

if __name__ == "__main__":
    import jax
    _d = setup_inputs()
    print(jax.jit(kernel)(*tuple(_d.values())))

</pallas_src>

<mosaic_0001>
#map = affine_map<(d0, d1) -> (0)>
module attributes {stable_mosaic.version = 14 : i64} {
  func.func @_route(%arg0: i32, %arg1: i32, %arg2: memref<4096xi32, #tpu.memory_space<hbm>>, %arg3: memref<4096xf32, #tpu.memory_space<hbm>>, %arg4: memref<16384xf32, #tpu.memory_space<hbm>>, %arg5: memref<128xi32, #tpu.memory_space<vmem>>, %arg6: memref<128xf32, #tpu.memory_space<vmem>>, %arg7: memref<512xf32, #tpu.memory_space<vmem>>) attributes {dimension_semantics = [#tpu.dimension_semantics<core_parallel>, #tpu.dimension_semantics<subcore_parallel>], iteration_bounds = array<i64: 2, 16>, scalar_prefetch = 0 : i64, scratch_operands = 3 : i64, tpu.core_type = #tpu.core_type<sc_vector_subcore>, window_params = [{transform_indices = #map}, {transform_indices = #map}, {transform_indices = #map}]} {
    %mul3A = arith.constant 2 : i32
    %mul3A_0 = arith.muli %arg1, %mul3A : i32
    %add3A = arith.addi %mul3A_0, %arg0 : i32
    %mul3A_1 = arith.constant 64 : i32
    %mul3A_2 = arith.muli %add3A, %mul3A_1 : i32
    %mul3A_3 = arith.constant 2 : i32
    %mul3A_4 = arith.muli %mul3A_2, %mul3A_3 : i32
    "tpu.region"() ({
      %run_scoped3A = tpu.sem_alloc : memref<!tpu.dma_semaphore, #tpu.memory_space<semaphore_mem>>
      %dma_start3A = tpu.memref_slice %arg2[%mul3A_4] : memref<4096xi32, #tpu.memory_space<hbm>> -> memref<128xi32, #tpu.memory_space<hbm>>
      %dma_start3A_520 = tpu.memref_slice %arg2[%mul3A_4] : memref<4096xi32, #tpu.memory_space<hbm>> -> memref<128xi32, #tpu.memory_space<hbm>>
      tpu.enqueue_dma source(%dma_start3A_520 : memref<128xi32, #tpu.memory_space<hbm>>) target(%arg5 : memref<128xi32, #tpu.memory_space<vmem>>) target_semaphore(%run_scoped3A : memref<!tpu.dma_semaphore, #tpu.memory_space<semaphore_mem>>)
      %dma_wait3A = tpu.memref_slice %arg2[%mul3A_4] : memref<4096xi32, #tpu.memory_space<hbm>> -> memref<128xi32, #tpu.memory_space<hbm>>
      %dma_wait3A_521 = tpu.memref_slice %arg2[%mul3A_4] : memref<4096xi32, #tpu.memory_space<hbm>> -> memref<128xi32, #tpu.memory_space<hbm>>
      tpu.wait_dma2 semaphore(%run_scoped3A : memref<!tpu.dma_semaphore, #tpu.memory_space<semaphore_mem>>) src(%dma_wait3A_521 : memref<128xi32, #tpu.memory_space<hbm>>) dst(%arg5 : memref<128xi32, #tpu.memory_space<vmem>>)
      tpu.yield
    }) : () -> ()
    %mul3A_5 = arith.constant 2 : i32
    %mul3A_6 = arith.muli %mul3A_2, %mul3A_5 : i32
    "tpu.region"() ({
      %run_scoped3A = tpu.sem_alloc : memref<!tpu.dma_semaphore, #tpu.memory_space<semaphore_mem>>
      %dma_start3A = tpu.memref_slice %arg3[%mul3A_6] : memref<4096xf32, #tpu.memory_space<hbm>> -> memref<128xf32, #tpu.memory_space<hbm>>
      %dma_start3A_520 = tpu.memref_slice %arg3[%mul3A_6] : memref<4096xf32, #tpu.memory_space<hbm>> -> memref<128xf32, #tpu.memory_space<hbm>>
      tpu.enqueue_dma source(%dma_start3A_520 : memref<128xf32, #tpu.memory_space<hbm>>) target(%arg6 : memref<128xf32, #tpu.memory_space<vmem>>) target_semaphore(%run_scoped3A : memref<!tpu.dma_semaphore, #tpu.memory_space<semaphore_mem>>)
      %dma_wait3A = tpu.memref_slice %arg3[%mul3A_6] : memref<4096xf32, #tpu.memory_space<hbm>> -> memref<128xf32, #tpu.memory_space<hbm>>
      %dma_wait3A_521 = tpu.memref_slice %arg3[%mul3A_6] : memref<4096xf32, #tpu.memory_space<hbm>> -> memref<128xf32, #tpu.memory_space<hbm>>
      tpu.wait_dma2 semaphore(%run_scoped3A : memref<!tpu.dma_semaphore, #tpu.memory_space<semaphore_mem>>) src(%dma_wait3A_521 : memref<128xf32, #tpu.memory_space<hbm>>) dst(%arg6 : memref<128xf32, #tpu.memory_space<vmem>>)
      tpu.yield
    }) : () -> ()
    %broadcast_in_dim3A = arith.constant 0.000000e+00 : f32
    %broadcast_in_dim3A_7 = vector.broadcast %broadcast_in_dim3A : f32 to vector<16xf32>
    %swap3A = arith.constant 0 : index
    %swap3A_8 = tpu.vector_load %arg7[%swap3A] {strides = array<i32>} : memref<512xf32, #tpu.memory_space<vmem>>, vector<16xf32>,
    tpu.vector_store %arg7[%swap3A], %broadcast_in_dim3A_7 {strides = array<i32>} : memref<512xf32, #tpu.memory_space<vmem>>, vector<16xf32>,
    %broadcast_in_dim3A_9 = arith.constant 0.000000e+00 : f32
    %broadcast_in_dim3A_10 = vector.broadcast %broadcast_in_dim3A_9 : f32 to vector<16xf32>
    %swap3A_11 = arith.constant 16 : index
    %swap3A_12 = tpu.vector_load %arg7[%swap3A_11] {strides = array<i32>} : memref<512xf32, #tpu.memory_space<vmem>>, vector<16xf32>,
    tpu.vector_store %arg7[%swap3A_11], %broadcast_in_dim3A_10 {strides = array<i32>} : memref<512xf32, #tpu.memory_space<vmem>>, vector<16xf32>,
    %broadcast_in_dim3A_13 = arith.constant 0.000000e+00 : f32
    %broadcast_in_dim3A_14 = vector.broadcast %broadcast_in_dim3A_13 : f32 to vector<16xf32>
    %swap3A_15 = arith.constant 32 : index
    %swap3A_16 = tpu.vector_load %arg7[%swap3A_15] {strides = array<i32>} : memref<512xf32, #tpu.memory_space<vmem>>, vector<16xf32>,
    tpu.vector_store %arg7[%swap3A_15], %broadcast_in_dim3A_14 {strides = array<i32>} : memref<512xf32, #tpu.memory_space<vmem>>, vector<16xf32>,
    %broadcast_in_dim3A_17 = arith.constant 0.000000e+00 : f32
    %broadcast_in_dim3A_18 = vector.broadcast %broadcast_in_dim3A_17 : f32 to vector<16xf32>
    %swap3A_19 = arith.constant 48 : index
    %swap3A_20 = tpu.vector_load %arg7[%swap3A_19] {strides = array<i32>} : memref<512xf32, #tpu.memory_space<vmem>>, vector<16xf32>,
    tpu.vector_store %arg7[%swap3A_19], %broadcast_in_dim3A_18 {strides = array<i32>} : memref<512xf32, #tpu.memory_space<vmem>>, vector<16xf32>,
    %broadcast_in_dim3A_21 = arith.constant 0.000000e+00 : f32
    %broadcast_in_dim3A_22 = vector.broadcast %broadcast_in_dim3A_21 : f32 to vector<16xf32>
    %swap3A_23 = arith.constant 64 : index
    %swap3A_24 = tpu.vector_load %arg7[%swap3A_23] {strides = array<i32>} : memref<512xf32, #tpu.memory_space<vmem>>, vector<16xf32>,
    tpu.vector_store %arg7[%swap3A_23], %broadcast_in_dim3A_22 {strides = array<i32>} : memref<512xf32, #tpu.memory_space<vmem>>, vector<16xf32>,
    %broadcast_in_dim3A_25 = arith.constant 0.000000e+00 : f32
    %broadcast_in_dim3A_26 = vector.broadcast %broadcast_in_dim3A_25 : f32 to vector<16xf32>
    %swap3A_27 = arith.constant 80 : index
    %swap3A_28 = tpu.vector_load %arg7[%swap3A_27] {strides = array<i32>} : memref<512xf32, #tpu.memory_space<vmem>>, vector<16xf32>,
    tpu.vector_store %arg7[%swap3A_27], %broadcast_in_dim3A_26 {strides = array<i32>} : memref<512xf32, #tpu.memory_space<vmem>>, vector<16xf32>,
    %broadcast_in_dim3A_29 = arith.constant 0.000000e+00 : f32
    %broadcast_in_dim3A_30 = vector.broadcast %broadcast_in_dim3A_29 : f32 to vector<16xf32>
    %swap3A_31 = arith.constant 96 : index
    %swap3A_32 = tpu.vector_load %arg7[%swap3A_31] {strides = array<i32>} : memref<512xf32, #tpu.memory_space<vmem>>, vector<16xf32>,
    tpu.vector_store %arg7[%swap3A_31], %broadcast_in_dim3A_30 {strides = array<i32>} : memref<512xf32, #tpu.memory_space<vmem>>, vector<16xf32>,
    %broadcast_in_dim3A_33 = arith.constant 0.000000e+00 : f32
    %broadcast_in_dim3A_34 = vector.broadcast %broadcast_in_dim3A_33 : f32 to vector<16xf32>
    %swap3A_35 = arith.constant 112 : index
    %swap3A_36 = tpu.vector_load %arg7[%swap3A_35] {strides = array<i32>} : memref<512xf32, #tpu.memory_space<vmem>>, vector<16xf32>,
    tpu.vector_store %arg7[%swap3A_35], %broadcast_in_dim3A_34 {strides = array<i32>} : memref<512xf32, #tpu.memory_space<vmem>>, vector<16xf32>,
    %broadcast_in_dim3A_37 = arith.constant 0.000000e+00 : f32
    %broadcast_in_dim3A_38 = vector.broadcast %broadcast_in_dim3A_37 : f32 to vector<16xf32>
    %swap3A_39 = arith.constant 128 : index
    %swap3A_40 = tpu.vector_load %arg7[%swap3A_39] {strides = array<i32>} : memref<512xf32, #tpu.memory_space<vmem>>, vector<16xf32>,
    tpu.vector_store %arg7[%swap3A_39], %broadcast_in_dim3A_38 {strides = array<i32>} : memref<512xf32, #tpu.memory_space<vmem>>, vector<16xf32>,
    %broadcast_in_dim3A_41 = arith.constant 0.000000e+00 : f32
    %broadcast_in_dim3A_42 = vector.broadcast %broadcast_in_dim3A_41 : f32 to vector<16xf32>
    %swap3A_43 = arith.constant 144 : index
    %swap3A_44 = tpu.vector_load %arg7[%swap3A_43] {strides = array<i32>} : memref<512xf32, #tpu.memory_space<vmem>>, vector<16xf32>,
    tpu.vector_store %arg7[%swap3A_43], %broadcast_in_dim3A_42 {strides = array<i32>} : memref<512xf32, #tpu.memory_space<vmem>>, vector<16xf32>,
    %broadcast_in_dim3A_45 = arith.constant 0.000000e+00 : f32
    %broadcast_in_dim3A_46 = vector.broadcast %broadcast_in_dim3A_45 : f32 to vector<16xf32>
    %swap3A_47 = arith.constant 160 : index
    %swap3A_48 = tpu.vector_load %arg7[%swap3A_47] {strides = array<i32>} : memref<512xf32, #tpu.memory_space<vmem>>, vector<16xf32>,
    tpu.vector_store %arg7[%swap3A_47], %broadcast_in_dim3A_46 {strides = array<i32>} : memref<512xf32, #tpu.memory_space<vmem>>, vector<16xf32>,
    %broadcast_in_dim3A_49 = arith.constant 0.000000e+00 : f32
    %broadcast_in_dim3A_50 = vector.broadcast %broadcast_in_dim3A_49 : f32 to vector<16xf32>
    %swap3A_51 = arith.constant 176 : index
    %swap3A_52 = tpu.vector_load %arg7[%swap3A_51] {strides = array<i32>} : memref<512xf32, #tpu.memory_space<vmem>>, vector<16xf32>,
    tpu.vector_store %arg7[%swap3A_51], %broadcast_in_dim3A_50 {strides = array<i32>} : memref<512xf32, #tpu.memory_space<vmem>>, vector<16xf32>,
    %broadcast_in_dim3A_53 = arith.constant 0.000000e+00 : f32
    %broadcast_in_dim3A_54 = vector.broadcast %broadcast_in_dim3A_53 : f32 to vector<16xf32>
    %swap3A_55 = arith.constant 192 : index
    %swap3A_56 = tpu.vector_load %arg7[%swap3A_55] {strides = array<i32>} : memref<512xf32, #tpu.memory_space<vmem>>, vector<16xf32>,
    tpu.vector_store %arg7[%swap3A_55], %broadcast_in_dim3A_54 {strides = array<i32>} : memref<512xf32, #tpu.memory_space<vmem>>, vector<16xf32>,
    %broadcast_in_dim3A_57 = arith.constant 0.000000e+00 : f32
    %broadcast_in_dim3A_58 = vector.broadcast %broadcast_in_dim3A_57 : f32 to vector<16xf32>
    %swap3A_59 = arith.constant 208 : index
    %swap3A_60 = tpu.vector_load %arg7[%swap3A_59] {strides = array<i32>} : memref<512xf32, #tpu.memory_space<vmem>>, vector<16xf32>,
    tpu.vector_store %arg7[%swap3A_59], %broadcast_in_dim3A_58 {strides = array<i32>} : memref<512xf32, #tpu.memory_space<vmem>>, vector<16xf32>,
    %broadcast_in_dim3A_61 = arith.constant 0.000000e+00 : f32
    %broadcast_in_dim3A_62 = vector.broadcast %broadcast_in_dim3A_61 : f32 to vector<16xf32>
    %swap3A_63 = arith.constant 224 : index
    %swap3A_64 = tpu.vector_load %arg7[%swap3A_63] {strides = array<i32>} : memref<512xf32, #tpu.memory_space<vmem>>, vector<16xf32>,
    tpu.vector_store %arg7[%swap3A_63], %broadcast_in_dim3A_62 {strides = array<i32>} : memref<512xf32, #tpu.memory_space<vmem>>, vector<16xf32>,
    %broadcast_in_dim3A_65 = arith.constant 0.000000e+00 : f32
    %broadcast_in_dim3A_66 = vector.broadcast %broadcast_in_dim3A_65 : f32 to vector<16xf32>
    %swap3A_67 = arith.constant 240 : index
    %swap3A_68 = tpu.vector_load %arg7[%swap3A_67] {strides = array<i32>} : memref<512xf32, #tpu.memory_space<vmem>>, vector<16xf32>,
    tpu.vector_store %arg7[%swap3A_67], %broadcast_in_dim3A_66 {strides = array<i32>} : memref<512xf32, #tpu.memory_space<vmem>>, vector<16xf32>,
    %broadcast_in_dim3A_69 = arith.constant 0.000000e+00 : f32
    %broadcast_in_dim3A_70 = vector.broadcast %broadcast_in_dim3A_69 : f32 to vector<16xf32>
    %swap3A_71 = arith.constant 256 : index
    %swap3A_72 = tpu.vector_load %arg7[%swap3A_71] {strides = array<i32>} : memref<512xf32, #tpu.memory_space<vmem>>, vector<16xf32>,
    tpu.vector_store %arg7[%swap3A_71], %broadcast_in_dim3A_70 {strides = array<i32>} : memref<512xf32, #tpu.memory_space<vmem>>, vector<16xf32>,
    %broadcast_in_dim3A_73 = arith.constant 0.000000e+00 : f32
    %broadcast_in_dim3A_74 = vector.broadcast %broadcast_in_dim3A_73 : f32 to vector<16xf32>
    %swap3A_75 = arith.constant 272 : index
    %swap3A_76 = tpu.vector_load %arg7[%swap3A_75] {strides = array<i32>} : memref<512xf32, #tpu.memory_space<vmem>>, vector<16xf32>,
    tpu.vector_store %arg7[%swap3A_75], %broadcast_in_dim3A_74 {strides = array<i32>} : memref<512xf32, #tpu.memory_space<vmem>>, vector<16xf32>,
    %broadcast_in_dim3A_77 = arith.constant 0.000000e+00 : f32
    %broadcast_in_dim3A_78 = vector.broadcast %broadcast_in_dim3A_77 : f32 to vector<16xf32>
    %swap3A_79 = arith.constant 288 : index
    %swap3A_80 = tpu.vector_load %arg7[%swap3A_79] {strides = array<i32>} : memref<512xf32, #tpu.memory_space<vmem>>, vector<16xf32>,
    tpu.vector_store %arg7[%swap3A_79], %broadcast_in_dim3A_78 {strides = array<i32>} : memref<512xf32, #tpu.memory_space<vmem>>, vector<16xf32>,
    %broadcast_in_dim3A_81 = arith.constant 0.000000e+00 : f32
    %broadcast_in_dim3A_82 = vector.broadcast %broadcast_in_dim3A_81 : f32 to vector<16xf32>
    %swap3A_83 = arith.constant 304 : index
    %swap3A_84 = tpu.vector_load %arg7[%swap3A_83] {strides = array<i32>} : memref<512xf32, #tpu.memory_space<vmem>>, vector<16xf32>,
    tpu.vector_store %arg7[%swap3A_83], %broadcast_in_dim3A_82 {strides = array<i32>} : memref<512xf32, #tpu.memory_space<vmem>>, vector<16xf32>,
    %broadcast_in_dim3A_85 = arith.constant 0.000000e+00 : f32
    %broadcast_in_dim3A_86 = vector.broadcast %broadcast_in_dim3A_85 : f32 to vector<16xf32>
    %swap3A_87 = arith.constant 320 : index
    %swap3A_88 = tpu.vector_load %arg7[%swap3A_87] {strides = array<i32>} : memref<512xf32, #tpu.memory_space<vmem>>, vector<16xf32>,
    tpu.vector_store %arg7[%swap3A_87], %broadcast_in_dim3A_86 {strides = array<i32>} : memref<512xf32, #tpu.memory_space<vmem>>, vector<16xf32>,
    %broadcast_in_dim3A_89 = arith.constant 0.000000e+00 : f32
    %broadcast_in_dim3A_90 = vector.broadcast %broadcast_in_dim3A_89 : f32 to vector<16xf32>
    %swap3A_91 = arith.constant 336 : index
    %swap3A_92 = tpu.vector_load %arg7[%swap3A_91] {strides = array<i32>} : memref<512xf32, #tpu.memory_space<vmem>>, vector<16xf32>,
    tpu.vector_store %arg7[%swap3A_91], %broadcast_in_dim3A_90 {strides = array<i32>} : memref<512xf32, #tpu.memory_space<vmem>>, vector<16xf32>,
    %broadcast_in_dim3A_93 = arith.constant 0.000000e+00 : f32
    %broadcast_in_dim3A_94 = vector.broadcast %broadcast_in_dim3A_93 : f32 to vector<16xf32>
    %swap3A_95 = arith.constant 352 : index
    %swap3A_96 = tpu.vector_load %arg7[%swap3A_95] {strides = array<i32>} : memref<512xf32, #tpu.memory_space<vmem>>, vector<16xf32>,
    tpu.vector_store %arg7[%swap3A_95], %broadcast_in_dim3A_94 {strides = array<i32>} : memref<512xf32, #tpu.memory_space<vmem>>, vector<16xf32>,
    %broadcast_in_dim3A_97 = arith.constant 0.000000e+00 : f32
    %broadcast_in_dim3A_98 = vector.broadcast %broadcast_in_dim3A_97 : f32 to vector<16xf32>
    %swap3A_99 = arith.constant 368 : index
    %swap3A_100 = tpu.vector_load %arg7[%swap3A_99] {strides = array<i32>} : memref<512xf32, #tpu.memory_space<vmem>>, vector<16xf32>,
    tpu.vector_store %arg7[%swap3A_99], %broadcast_in_dim3A_98 {strides = array<i32>} : memref<512xf32, #tpu.memory_space<vmem>>, vector<16xf32>,
    %broadcast_in_dim3A_101 = arith.constant 0.000000e+00 : f32
    %broadcast_in_dim3A_102 = vector.broadcast %broadcast_in_dim3A_101 : f32 to vector<16xf32>
    %swap3A_103 = arith.constant 384 : index
    %swap3A_104 = tpu.vector_load %arg7[%swap3A_103] {strides = array<i32>} : memref<512xf32, #tpu.memory_space<vmem>>, vector<16xf32>,
    tpu.vector_store %arg7[%swap3A_103], %broadcast_in_dim3A_102 {strides = array<i32>} : memref<512xf32, #tpu.memory_space<vmem>>, vector<16xf32>,
    %broadcast_in_dim3A_105 = arith.constant 0.000000e+00 : f32
    %broadcast_in_dim3A_106 = vector.broadcast %broadcast_in_dim3A_105 : f32 to vector<16xf32>
    %swap3A_107 = arith.constant 400 : index
    %swap3A_108 = tpu.vector_load %arg7[%swap3A_107] {strides = array<i32>} : memref<512xf32, #tpu.memory_space<vmem>>, vector<16xf32>,
    tpu.vector_store %arg7[%swap3A_107], %broadcast_in_dim3A_106 {strides = array<i32>} : memref<512xf32, #tpu.memory_space<vmem>>, vector<16xf32>,
    %broadcast_in_dim3A_109 = arith.constant 0.000000e+00 : f32
    %broadcast_in_dim3A_110 = vector.broadcast %broadcast_in_dim3A_109 : f32 to vector<16xf32>
    %swap3A_111 = arith.constant 416 : index
    %swap3A_112 = tpu.vector_load %arg7[%swap3A_111] {strides = array<i32>} : memref<512xf32, #tpu.memory_space<vmem>>, vector<16xf32>,
    tpu.vector_store %arg7[%swap3A_111], %broadcast_in_dim3A_110 {strides = array<i32>} : memref<512xf32, #tpu.memory_space<vmem>>, vector<16xf32>,
    %broadcast_in_dim3A_113 = arith.constant 0.000000e+00 : f32
    %broadcast_in_dim3A_114 = vector.broadcast %broadcast_in_dim3A_113 : f32 to vector<16xf32>
    %swap3A_115 = arith.constant 432 : index
    %swap3A_116 = tpu.vector_load %arg7[%swap3A_115] {strides = array<i32>} : memref<512xf32, #tpu.memory_space<vmem>>, vector<16xf32>,
    tpu.vector_store %arg7[%swap3A_115], %broadcast_in_dim3A_114 {strides = array<i32>} : memref<512xf32, #tpu.memory_space<vmem>>, vector<16xf32>,
    %broadcast_in_dim3A_117 = arith.constant 0.000000e+00 : f32
    %broadcast_in_dim3A_118 = vector.broadcast %broadcast_in_dim3A_117 : f32 to vector<16xf32>
    %swap3A_119 = arith.constant 448 : index
    %swap3A_120 = tpu.vector_load %arg7[%swap3A_119] {strides = array<i32>} : memref<512xf32, #tpu.memory_space<vmem>>, vector<16xf32>,
    tpu.vector_store %arg7[%swap3A_119], %broadcast_in_dim3A_118 {strides = array<i32>} : memref<512xf32, #tpu.memory_space<vmem>>, vector<16xf32>,
    %broadcast_in_dim3A_121 = arith.constant 0.000000e+00 : f32
    %broadcast_in_dim3A_122 = vector.broadcast %broadcast_in_dim3A_121 : f32 to vector<16xf32>
    %swap3A_123 = arith.constant 464 : index
    %swap3A_124 = tpu.vector_load %arg7[%swap3A_123] {strides = array<i32>} : memref<512xf32, #tpu.memory_space<vmem>>, vector<16xf32>,
    tpu.vector_store %arg7[%swap3A_123], %broadcast_in_dim3A_122 {strides = array<i32>} : memref<512xf32, #tpu.memory_space<vmem>>, vector<16xf32>,
    %broadcast_in_dim3A_125 = arith.constant 0.000000e+00 : f32
    %broadcast_in_dim3A_126 = vector.broadcast %broadcast_in_dim3A_125 : f32 to vector<16xf32>
    %swap3A_127 = arith.constant 480 : index
    %swap3A_128 = tpu.vector_load %arg7[%swap3A_127] {strides = array<i32>} : memref<512xf32, #tpu.memory_space<vmem>>, vector<16xf32>,
    tpu.vector_store %arg7[%swap3A_127], %broadcast_in_dim3A_126 {strides = array<i32>} : memref<512xf32, #tpu.memory_space<vmem>>, vector<16xf32>,
    %broadcast_in_dim3A_129 = arith.constant 0.000000e+00 : f32
    %broadcast_in_dim3A_130 = vector.broadcast %broadcast_in_dim3A_129 : f32 to vector<16xf32>
    %swap3A_131 = arith.constant 496 : index
    %swap3A_132 = tpu.vector_load %arg7[%swap3A_131] {strides = array<i32>} : memref<512xf32, #tpu.memory_space<vmem>>, vector<16xf32>,
    tpu.vector_store %arg7[%swap3A_131], %broadcast_in_dim3A_130 {strides = array<i32>} : memref<512xf32, #tpu.memory_space<vmem>>, vector<16xf32>,
    %iota3A = tpu.iota {dimensions = array<i32: 0>} : vector<16xi32>
    %rem3A = arith.constant 2 : i32
    %rem3A_133 = vector.broadcast %rem3A : i32 to vector<16xi32>
    %rem3A_134 = arith.remsi %iota3A, %rem3A_133 : vector<16xi32>
    %get3A = arith.constant 0 : index
    %get3A_135 = tpu.vector_load %arg5[%get3A] {strides = array<i32>} : memref<128xi32, #tpu.memory_space<vmem>>, vector<16xi32>,
    %get3A_136 = arith.constant 0 : index
    %get3A_137 = tpu.vector_load %arg6[%get3A_136] {strides = array<i32>} : memref<128xf32, #tpu.memory_space<vmem>>, vector<16xf32>,
    %iota3A_138 = tpu.iota {dimensions = array<i32: 0>} : vector<16xi32>
    %jit3A = arith.constant 2 : i32
    %div3A = vector.broadcast %jit3A : i32 to vector<16xi32>
    %div3A_139 = arith.divsi %iota3A_138, %div3A : vector<16xi32>
    %sign3A = arith.constant 0 : i32
    %sign3A_140 = vector.broadcast %sign3A : i32 to vector<16xi32>
    %sign3A_141 = arith.cmpi sgt, %iota3A_138, %sign3A_140 : vector<16xi32>
    %sign3A_142 = arith.extui %sign3A_141 : vector<16xi1> to vector<16xi32>
    %sign3A_143 = arith.constant 0 : i32
    %sign3A_144 = vector.broadcast %sign3A_143 : i32 to vector<16xi32>
    %sign3A_145 = arith.cmpi slt, %iota3A_138, %sign3A_144 : vector<16xi32>
    %sign3A_146 = arith.extui %sign3A_145 : vector<16xi1> to vector<16xi32>
    %sign3A_147 = arith.subi %sign3A_142, %sign3A_146 : vector<16xi32>
    %sign3A_148 = arith.constant 0 : i32
    %sign3A_149 = arith.cmpi sgt, %jit3A, %sign3A_148 : i32
    %sign3A_150 = arith.extui %sign3A_149 : i1 to i32
    %sign3A_151 = arith.constant 0 : i32
    %sign3A_152 = arith.cmpi slt, %jit3A, %sign3A_151 : i32
    %sign3A_153 = arith.extui %sign3A_152 : i1 to i32
    %sign3A_154 = arith.subi %sign3A_150, %sign3A_153 : i32
    %ne3A = vector.broadcast %sign3A_154 : i32 to vector<16xi32>
    %ne3A_155 = arith.cmpi ne, %sign3A_147, %ne3A : vector<16xi32>
    %rem3A_156 = vector.broadcast %jit3A : i32 to vector<16xi32>
    %rem3A_157 = arith.remsi %iota3A_138, %rem3A_156 : vector<16xi32>
    %ne3A_158 = arith.constant 0 : i32
    %ne3A_159 = vector.broadcast %ne3A_158 : i32 to vector<16xi32>
    %ne3A_160 = arith.cmpi ne, %rem3A_157, %ne3A_159 : vector<16xi32>
    %and3A = arith.andi %ne3A_155, %ne3A_160 : vector<16xi1>
    %sub3A = arith.constant 1 : i32
    %sub3A_161 = vector.broadcast %sub3A : i32 to vector<16xi32>
    %sub3A_162 = arith.subi %div3A_139, %sub3A_161 : vector<16xi32>
    %select_n3A = arith.select %and3A, %sub3A_162, %div3A_139 : vector<16xi1>, vector<16xi32>
    %add3A_163 = arith.constant 0 : i32
    %add3A_164 = vector.broadcast %add3A_163 : i32 to vector<16xi32>
    %add3A_165 = arith.addi %select_n3A, %add3A_164 : vector<16xi32>
    %mul3A_166 = arith.constant 8 : i32
    %mul3A_167 = vector.broadcast %mul3A_166 : i32 to vector<16xi32>
    %mul3A_168 = arith.muli %add3A_165, %mul3A_167 : vector<16xi32>
    %add3A_169 = arith.addi %mul3A_168, %get3A_135 : vector<16xi32>
    %eq3A = arith.constant 0 : i32
    %eq3A_170 = vector.broadcast %eq3A : i32 to vector<16xi32>
    %eq3A_171 = arith.cmpi eq, %rem3A_134, %eq3A_170 : vector<16xi32>
    tpu.vector_store_idx %arg7[%add3A_169], %get3A_137 masked %eq3A_171 {add = true} : memref<512xf32, #tpu.memory_space<vmem>>[vector<16xi32>], vector<16xf32>, vector<16xi1>
    %eq3A_172 = arith.constant 1 : i32
    %eq3A_173 = vector.broadcast %eq3A_172 : i32 to vector<16xi32>
    %eq3A_174 = arith.cmpi eq, %rem3A_134, %eq3A_173 : vector<16xi32>
    tpu.vector_store_idx %arg7[%add3A_169], %get3A_137 masked %eq3A_174 {add = true} : memref<512xf32, #tpu.memory_space<vmem>>[vector<16xi32>], vector<16xf32>, vector<16xi1>
    %get3A_175 = arith.constant 16 : index
    %get3A_176 = tpu.vector_load %arg5[%get3A_175] {strides = array<i32>} : memref<128xi32, #tpu.memory_space<vmem>>, vector<16xi32>,
    %get3A_177 = arith.constant 16 : index
    %get3A_178 = tpu.vector_load %arg6[%get3A_177] {strides = array<i32>} : memref<128xf32, #tpu.memory_space<vmem>>, vector<16xf32>,
    %iota3A_179 = tpu.iota {dimensions = array<i32: 0>} : vector<16xi32>
    %jit3A_180 = arith.constant 2 : i32
    %div3A_181 = vector.broadcast %jit3A_180 : i32 to vector<16xi32>
    %div3A_182 = arith.divsi %iota3A_179, %div3A_181 : vector<16xi32>
    %sign3A_183 = arith.constant 0 : i32
    %sign3A_184 = vector.broadcast %sign3A_183 : i32 to vector<16xi32>
    %sign3A_185 = arith.cmpi sgt, %iota3A_179, %sign3A_184 : vector<16xi32>
    %sign3A_186 = arith.extui %sign3A_185 : vector<16xi1> to vector<16xi32>
    %sign3A_187 = arith.constant 0 : i32
    %sign3A_188 = vector.broadcast %sign3A_187 : i32 to vector<16xi32>
    %sign3A_189 = arith.cmpi slt, %iota3A_179, %sign3A_188 : vector<16xi32>
    %sign3A_190 = arith.extui %sign3A_189 : vector<16xi1> to vector<16xi32>
    %sign3A_191 = arith.subi %sign3A_186, %sign3A_190 : vector<16xi32>
    %sign3A_192 = arith.constant 0 : i32
    %sign3A_193 = arith.cmpi sgt, %jit3A_180, %sign3A_192 : i32
    %sign3A_194 = arith.extui %sign3A_193 : i1 to i32
    %sign3A_195 = arith.constant 0 : i32
    %sign3A_196 = arith.cmpi slt, %jit3A_180, %sign3A_195 : i32
    %sign3A_197 = arith.extui %sign3A_196 : i1 to i32
    %sign3A_198 = arith.subi %sign3A_194, %sign3A_197 : i32
    %ne3A_199 = vector.broadcast %sign3A_198 : i32 to vector<16xi32>
    %ne3A_200 = arith.cmpi ne, %sign3A_191, %ne3A_199 : vector<16xi32>
    %rem3A_201 = vector.broadcast %jit3A_180 : i32 to vector<16xi32>
    %rem3A_202 = arith.remsi %iota3A_179, %rem3A_201 : vector<16xi32>
    %ne3A_203 = arith.constant 0 : i32
    %ne3A_204 = vector.broadcast %ne3A_203 : i32 to vector<16xi32>
    %ne3A_205 = arith.cmpi ne, %rem3A_202, %ne3A_204 : vector<16xi32>
    %and3A_206 = arith.andi %ne3A_200, %ne3A_205 : vector<16xi1>
    %sub3A_207 = arith.constant 1 : i32
    %sub3A_208 = vector.broadcast %sub3A_207 : i32 to vector<16xi32>
    %sub3A_209 = arith.subi %div3A_182, %sub3A_208 : vector<16xi32>
    %select_n3A_210 = arith.select %and3A_206, %sub3A_209, %div3A_182 : vector<16xi1>, vector<16xi32>
    %add3A_211 = arith.constant 8 : i32
    %add3A_212 = vector.broadcast %add3A_211 : i32 to vector<16xi32>
    %add3A_213 = arith.addi %select_n3A_210, %add3A_212 : vector<16xi32>
    %mul3A_214 = arith.constant 8 : i32
    %mul3A_215 = vector.broadcast %mul3A_214 : i32 to vector<16xi32>
    %mul3A_216 = arith.muli %add3A_213, %mul3A_215 : vector<16xi32>
    %add3A_217 = arith.addi %mul3A_216, %get3A_176 : vector<16xi32>
    %eq3A_218 = arith.constant 0 : i32
    %eq3A_219 = vector.broadcast %eq3A_218 : i32 to vector<16xi32>
    %eq3A_220 = arith.cmpi eq, %rem3A_134, %eq3A_219 : vector<16xi32>
    tpu.vector_store_idx %arg7[%add3A_217], %get3A_178 masked %eq3A_220 {add = true} : memref<512xf32, #tpu.memory_space<vmem>>[vector<16xi32>], vector<16xf32>, vector<16xi1>
    %eq3A_221 = arith.constant 1 : i32
    %eq3A_222 = vector.broadcast %eq3A_221 : i32 to vector<16xi32>
    %eq3A_223 = arith.cmpi eq, %rem3A_134, %eq3A_222 : vector<16xi32>
    tpu.vector_store_idx %arg7[%add3A_217], %get3A_178 masked %eq3A_223 {add = true} : memref<512xf32, #tpu.memory_space<vmem>>[vector<16xi32>], vector<16xf32>, vector<16xi1>
    %get3A_224 = arith.constant 32 : index
    %get3A_225 = tpu.vector_load %arg5[%get3A_224] {strides = array<i32>} : memref<128xi32, #tpu.memory_space<vmem>>, vector<16xi32>,
    %get3A_226 = arith.constant 32 : index
    %get3A_227 = tpu.vector_load %arg6[%get3A_226] {strides = array<i32>} : memref<128xf32, #tpu.memory_space<vmem>>, vector<16xf32>,
    %iota3A_228 = tpu.iota {dimensions = array<i32: 0>} : vector<16xi32>
    %jit3A_229 = arith.constant 2 : i32
    %div3A_230 = vector.broadcast %jit3A_229 : i32 to vector<16xi32>
    %div3A_231 = arith.divsi %iota3A_228, %div3A_230 : vector<16xi32>
    %sign3A_232 = arith.constant 0 : i32
    %sign3A_233 = vector.broadcast %sign3A_232 : i32 to vector<16xi32>
    %sign3A_234 = arith.cmpi sgt, %iota3A_228, %sign3A_233 : vector<16xi32>
    %sign3A_235 = arith.extui %sign3A_234 : vector<16xi1> to vector<16xi32>
    %sign3A_236 = arith.constant 0 : i32
    %sign3A_237 = vector.broadcast %sign3A_236 : i32 to vector<16xi32>
    %sign3A_238 = arith.cmpi slt, %iota3A_228, %sign3A_237 : vector<16xi32>
    %sign3A_239 = arith.extui %sign3A_238 : vector<16xi1> to vector<16xi32>
    %sign3A_240 = arith.subi %sign3A_235, %sign3A_239 : vector<16xi32>
    %sign3A_241 = arith.constant 0 : i32
    %sign3A_242 = arith.cmpi sgt, %jit3A_229, %sign3A_241 : i32
    %sign3A_243 = arith.extui %sign3A_242 : i1 to i32
    %sign3A_244 = arith.constant 0 : i32
    %sign3A_245 = arith.cmpi slt, %jit3A_229, %sign3A_244 : i32
    %sign3A_246 = arith.extui %sign3A_245 : i1 to i32
    %sign3A_247 = arith.subi %sign3A_243, %sign3A_246 : i32
    %ne3A_248 = vector.broadcast %sign3A_247 : i32 to vector<16xi32>
    %ne3A_249 = arith.cmpi ne, %sign3A_240, %ne3A_248 : vector<16xi32>
    %rem3A_250 = vector.broadcast %jit3A_229 : i32 to vector<16xi32>
    %rem3A_251 = arith.remsi %iota3A_228, %rem3A_250 : vector<16xi32>
    %ne3A_252 = arith.constant 0 : i32
    %ne3A_253 = vector.broadcast %ne3A_252 : i32 to vector<16xi32>
    %ne3A_254 = arith.cmpi ne, %rem3A_251, %ne3A_253 : vector<16xi32>
    %and3A_255 = arith.andi %ne3A_249, %ne3A_254 : vector<16xi1>
    %sub3A_256 = arith.constant 1 : i32
    %sub3A_257 = vector.broadcast %sub3A_256 : i32 to vector<16xi32>
    %sub3A_258 = arith.subi %div3A_231, %sub3A_257 : vector<16xi32>
    %select_n3A_259 = arith.select %and3A_255, %sub3A_258, %div3A_231 : vector<16xi1>, vector<16xi32>
    %add3A_260 = arith.constant 16 : i32
    %add3A_261 = vector.broadcast %add3A_260 : i32 to vector<16xi32>
    %add3A_262 = arith.addi %select_n3A_259, %add3A_261 : vector<16xi32>
    %mul3A_263 = arith.constant 8 : i32
    %mul3A_264 = vector.broadcast %mul3A_263 : i32 to vector<16xi32>
    %mul3A_265 = arith.muli %add3A_262, %mul3A_264 : vector<16xi32>
    %add3A_266 = arith.addi %mul3A_265, %get3A_225 : vector<16xi32>
    %eq3A_267 = arith.constant 0 : i32
    %eq3A_268 = vector.broadcast %eq3A_267 : i32 to vector<16xi32>
    %eq3A_269 = arith.cmpi eq, %rem3A_134, %eq3A_268 : vector<16xi32>
    tpu.vector_store_idx %arg7[%add3A_266], %get3A_227 masked %eq3A_269 {add = true} : memref<512xf32, #tpu.memory_space<vmem>>[vector<16xi32>], vector<16xf32>, vector<16xi1>
    %eq3A_270 = arith.constant 1 : i32
    %eq3A_271 = vector.broadcast %eq3A_270 : i32 to vector<16xi32>
    %eq3A_272 = arith.cmpi eq, %rem3A_134, %eq3A_271 : vector<16xi32>
    tpu.vector_store_idx %arg7[%add3A_266], %get3A_227 masked %eq3A_272 {add = true} : memref<512xf32, #tpu.memory_space<vmem>>[vector<16xi32>], vector<16xf32>, vector<16xi1>
    %get3A_273 = arith.constant 48 : index
    %get3A_274 = tpu.vector_load %arg5[%get3A_273] {strides = array<i32>} : memref<128xi32, #tpu.memory_space<vmem>>, vector<16xi32>,
    %get3A_275 = arith.constant 48 : index
    %get3A_276 = tpu.vector_load %arg6[%get3A_275] {strides = array<i32>} : memref<128xf32, #tpu.memory_space<vmem>>, vector<16xf32>,
    %iota3A_277 = tpu.iota {dimensions = array<i32: 0>} : vector<16xi32>
    %jit3A_278 = arith.constant 2 : i32
    %div3A_279 = vector.broadcast %jit3A_278 : i32 to vector<16xi32>
    %div3A_280 = arith.divsi %iota3A_277, %div3A_279 : vector<16xi32>
    %sign3A_281 = arith.constant 0 : i32
    %sign3A_282 = vector.broadcast %sign3A_281 : i32 to vector<16xi32>
    %sign3A_283 = arith.cmpi sgt, %iota3A_277, %sign3A_282 : vector<16xi32>
    %sign3A_284 = arith.extui %sign3A_283 : vector<16xi1> to vector<16xi32>
    %sign3A_285 = arith.constant 0 : i32
    %sign3A_286 = vector.broadcast %sign3A_285 : i32 to vector<16xi32>
    %sign3A_287 = arith.cmpi slt, %iota3A_277, %sign3A_286 : vector<16xi32>
    %sign3A_288 = arith.extui %sign3A_287 : vector<16xi1> to vector<16xi32>
    %sign3A_289 = arith.subi %sign3A_284, %sign3A_288 : vector<16xi32>
    %sign3A_290 = arith.constant 0 : i32
    %sign3A_291 = arith.cmpi sgt, %jit3A_278, %sign3A_290 : i32
    %sign3A_292 = arith.extui %sign3A_291 : i1 to i32
    %sign3A_293 = arith.constant 0 : i32
    %sign3A_294 = arith.cmpi slt, %jit3A_278, %sign3A_293 : i32
    %sign3A_295 = arith.extui %sign3A_294 : i1 to i32
    %sign3A_296 = arith.subi %sign3A_292, %sign3A_295 : i32
    %ne3A_297 = vector.broadcast %sign3A_296 : i32 to vector<16xi32>
    %ne3A_298 = arith.cmpi ne, %sign3A_289, %ne3A_297 : vector<16xi32>
    %rem3A_299 = vector.broadcast %jit3A_278 : i32 to vector<16xi32>
    %rem3A_300 = arith.remsi %iota3A_277, %rem3A_299 : vector<16xi32>
    %ne3A_301 = arith.constant 0 : i32
    %ne3A_302 = vector.broadcast %ne3A_301 : i32 to vector<16xi32>
    %ne3A_303 = arith.cmpi ne, %rem3A_300, %ne3A_302 : vector<16xi32>
    %and3A_304 = arith.andi %ne3A_298, %ne3A_303 : vector<16xi1>
    %sub3A_305 = arith.constant 1 : i32
    %sub3A_306 = vector.broadcast %sub3A_305 : i32 to vector<16xi32>
    %sub3A_307 = arith.subi %div3A_280, %sub3A_306 : vector<16xi32>
    %select_n3A_308 = arith.select %and3A_304, %sub3A_307, %div3A_280 : vector<16xi1>, vector<16xi32>
    %add3A_309 = arith.constant 24 : i32
    %add3A_310 = vector.broadcast %add3A_309 : i32 to vector<16xi32>
    %add3A_311 = arith.addi %select_n3A_308, %add3A_310 : vector<16xi32>
    %mul3A_312 = arith.constant 8 : i32
    %mul3A_313 = vector.broadcast %mul3A_312 : i32 to vector<16xi32>
    %mul3A_314 = arith.muli %add3A_311, %mul3A_313 : vector<16xi32>
    %add3A_315 = arith.addi %mul3A_314, %get3A_274 : vector<16xi32>
    %eq3A_316 = arith.constant 0 : i32
    %eq3A_317 = vector.broadcast %eq3A_316 : i32 to vector<16xi32>
    %eq3A_318 = arith.cmpi eq, %rem3A_134, %eq3A_317 : vector<16xi32>
    tpu.vector_store_idx %arg7[%add3A_315], %get3A_276 masked %eq3A_318 {add = true} : memref<512xf32, #tpu.memory_space<vmem>>[vector<16xi32>], vector<16xf32>, vector<16xi1>
    %eq3A_319 = arith.constant 1 : i32
    %eq3A_320 = vector.broadcast %eq3A_319 : i32 to vector<16xi32>
    %eq3A_321 = arith.cmpi eq, %rem3A_134, %eq3A_320 : vector<16xi32>
    tpu.vector_store_idx %arg7[%add3A_315], %get3A_276 masked %eq3A_321 {add = true} : memref<512xf32, #tpu.memory_space<vmem>>[vector<16xi32>], vector<16xf32>, vector<16xi1>
    %get3A_322 = arith.constant 64 : index
    %get3A_323 = tpu.vector_load %arg5[%get3A_322] {strides = array<i32>} : memref<128xi32, #tpu.memory_space<vmem>>, vector<16xi32>,
    %get3A_324 = arith.constant 64 : index
    %get3A_325 = tpu.vector_load %arg6[%get3A_324] {strides = array<i32>} : memref<128xf32, #tpu.memory_space<vmem>>, vector<16xf32>,
    %iota3A_326 = tpu.iota {dimensions = array<i32: 0>} : vector<16xi32>
    %jit3A_327 = arith.constant 2 : i32
    %div3A_328 = vector.broadcast %jit3A_327 : i32 to vector<16xi32>
    %div3A_329 = arith.divsi %iota3A_326, %div3A_328 : vector<16xi32>
    %sign3A_330 = arith.constant 0 : i32
    %sign3A_331 = vector.broadcast %sign3A_330 : i32 to vector<16xi32>
    %sign3A_332 = arith.cmpi sgt, %iota3A_326, %sign3A_331 : vector<16xi32>
    %sign3A_333 = arith.extui %sign3A_332 : vector<16xi1> to vector<16xi32>
    %sign3A_334 = arith.constant 0 : i32
    %sign3A_335 = vector.broadcast %sign3A_334 : i32 to vector<16xi32>
    %sign3A_336 = arith.cmpi slt, %iota3A_326, %sign3A_335 : vector<16xi32>
    %sign3A_337 = arith.extui %sign3A_336 : vector<16xi1> to vector<16xi32>
    %sign3A_338 = arith.subi %sign3A_333, %sign3A_337 : vector<16xi32>
    %sign3A_339 = arith.constant 0 : i32
    %sign3A_340 = arith.cmpi sgt, %jit3A_327, %sign3A_339 : i32
    %sign3A_341 = arith.extui %sign3A_340 : i1 to i32
    %sign3A_342 = arith.constant 0 : i32
    %sign3A_343 = arith.cmpi slt, %jit3A_327, %sign3A_342 : i32
    %sign3A_344 = arith.extui %sign3A_343 : i1 to i32
    %sign3A_345 = arith.subi %sign3A_341, %sign3A_344 : i32
    %ne3A_346 = vector.broadcast %sign3A_345 : i32 to vector<16xi32>
    %ne3A_347 = arith.cmpi ne, %sign3A_338, %ne3A_346 : vector<16xi32>
    %rem3A_348 = vector.broadcast %jit3A_327 : i32 to vector<16xi32>
    %rem3A_349 = arith.remsi %iota3A_326, %rem3A_348 : vector<16xi32>
    %ne3A_350 = arith.constant 0 : i32
    %ne3A_351 = vector.broadcast %ne3A_350 : i32 to vector<16xi32>
    %ne3A_352 = arith.cmpi ne, %rem3A_349, %ne3A_351 : vector<16xi32>
    %and3A_353 = arith.andi %ne3A_347, %ne3A_352 : vector<16xi1>
    %sub3A_354 = arith.constant 1 : i32
    %sub3A_355 = vector.broadcast %sub3A_354 : i32 to vector<16xi32>
    %sub3A_356 = arith.subi %div3A_329, %sub3A_355 : vector<16xi32>
    %select_n3A_357 = arith.select %and3A_353, %sub3A_356, %div3A_329 : vector<16xi1>, vector<16xi32>
    %add3A_358 = arith.constant 32 : i32
    %add3A_359 = vector.broadcast %add3A_358 : i32 to vector<16xi32>
    %add3A_360 = arith.addi %select_n3A_357, %add3A_359 : vector<16xi32>
    %mul3A_361 = arith.constant 8 : i32
    %mul3A_362 = vector.broadcast %mul3A_361 : i32 to vector<16xi32>
    %mul3A_363 = arith.muli %add3A_360, %mul3A_362 : vector<16xi32>
    %add3A_364 = arith.addi %mul3A_363, %get3A_323 : vector<16xi32>
    %eq3A_365 = arith.constant 0 : i32
    %eq3A_366 = vector.broadcast %eq3A_365 : i32 to vector<16xi32>
    %eq3A_367 = arith.cmpi eq, %rem3A_134, %eq3A_366 : vector<16xi32>
    tpu.vector_store_idx %arg7[%add3A_364], %get3A_325 masked %eq3A_367 {add = true} : memref<512xf32, #tpu.memory_space<vmem>>[vector<16xi32>], vector<16xf32>, vector<16xi1>
    %eq3A_368 = arith.constant 1 : i32
    %eq3A_369 = vector.broadcast %eq3A_368 : i32 to vector<16xi32>
    %eq3A_370 = arith.cmpi eq, %rem3A_134, %eq3A_369 : vector<16xi32>
    tpu.vector_store_idx %arg7[%add3A_364], %get3A_325 masked %eq3A_370 {add = true} : memref<512xf32, #tpu.memory_space<vmem>>[vector<16xi32>], vector<16xf32>, vector<16xi1>
    %get3A_371 = arith.constant 80 : index
    %get3A_372 = tpu.vector_load %arg5[%get3A_371] {strides = array<i32>} : memref<128xi32, #tpu.memory_space<vmem>>, vector<16xi32>,
    %get3A_373 = arith.constant 80 : index
    %get3A_374 = tpu.vector_load %arg6[%get3A_373] {strides = array<i32>} : memref<128xf32, #tpu.memory_space<vmem>>, vector<16xf32>,
    %iota3A_375 = tpu.iota {dimensions = array<i32: 0>} : vector<16xi32>
    %jit3A_376 = arith.constant 2 : i32
    %div3A_377 = vector.broadcast %jit3A_376 : i32 to vector<16xi32>
    %div3A_378 = arith.divsi %iota3A_375, %div3A_377 : vector<16xi32>
    %sign3A_379 = arith.constant 0 : i32
    %sign3A_380 = vector.broadcast %sign3A_379 : i32 to vector<16xi32>
    %sign3A_381 = arith.cmpi sgt, %iota3A_375, %sign3A_380 : vector<16xi32>
    %sign3A_382 = arith.extui %sign3A_381 : vector<16xi1> to vector<16xi32>
    %sign3A_383 = arith.constant 0 : i32
    %sign3A_384 = vector.broadcast %sign3A_383 : i32 to vector<16xi32>
    %sign3A_385 = arith.cmpi slt, %iota3A_375, %sign3A_384 : vector<16xi32>
    %sign3A_386 = arith.extui %sign3A_385 : vector<16xi1> to vector<16xi32>
    %sign3A_387 = arith.subi %sign3A_382, %sign3A_386 : vector<16xi32>
    %sign3A_388 = arith.constant 0 : i32
    %sign3A_389 = arith.cmpi sgt, %jit3A_376, %sign3A_388 : i32
    %sign3A_390 = arith.extui %sign3A_389 : i1 to i32
    %sign3A_391 = arith.constant 0 : i32
    %sign3A_392 = arith.cmpi slt, %jit3A_376, %sign3A_391 : i32
    %sign3A_393 = arith.extui %sign3A_392 : i1 to i32
    %sign3A_394 = arith.subi %sign3A_390, %sign3A_393 : i32
    %ne3A_395 = vector.broadcast %sign3A_394 : i32 to vector<16xi32>
    %ne3A_396 = arith.cmpi ne, %sign3A_387, %ne3A_395 : vector<16xi32>
    %rem3A_397 = vector.broadcast %jit3A_376 : i32 to vector<16xi32>
    %rem3A_398 = arith.remsi %iota3A_375, %rem3A_397 : vector<16xi32>
    %ne3A_399 = arith.constant 0 : i32
    %ne3A_400 = vector.broadcast %ne3A_399 : i32 to vector<16xi32>
    %ne3A_401 = arith.cmpi ne, %rem3A_398, %ne3A_400 : vector<16xi32>
    %and3A_402 = arith.andi %ne3A_396, %ne3A_401 : vector<16xi1>
    %sub3A_403 = arith.constant 1 : i32
    %sub3A_404 = vector.broadcast %sub3A_403 : i32 to vector<16xi32>
    %sub3A_405 = arith.subi %div3A_378, %sub3A_404 : vector<16xi32>
    %select_n3A_406 = arith.select %and3A_402, %sub3A_405, %div3A_378 : vector<16xi1>, vector<16xi32>
    %add3A_407 = arith.constant 40 : i32
    %add3A_408 = vector.broadcast %add3A_407 : i32 to vector<16xi32>
    %add3A_409 = arith.addi %select_n3A_406, %add3A_408 : vector<16xi32>
    %mul3A_410 = arith.constant 8 : i32
    %mul3A_411 = vector.broadcast %mul3A_410 : i32 to vector<16xi32>
    %mul3A_412 = arith.muli %add3A_409, %mul3A_411 : vector<16xi32>
    %add3A_413 = arith.addi %mul3A_412, %get3A_372 : vector<16xi32>
    %eq3A_414 = arith.constant 0 : i32
    %eq3A_415 = vector.broadcast %eq3A_414 : i32 to vector<16xi32>
    %eq3A_416 = arith.cmpi eq, %rem3A_134, %eq3A_415 : vector<16xi32>
    tpu.vector_store_idx %arg7[%add3A_413], %get3A_374 masked %eq3A_416 {add = true} : memref<512xf32, #tpu.memory_space<vmem>>[vector<16xi32>], vector<16xf32>, vector<16xi1>
    %eq3A_417 = arith.constant 1 : i32
    %eq3A_418 = vector.broadcast %eq3A_417 : i32 to vector<16xi32>
    %eq3A_419 = arith.cmpi eq, %rem3A_134, %eq3A_418 : vector<16xi32>
    tpu.vector_store_idx %arg7[%add3A_413], %get3A_374 masked %eq3A_419 {add = true} : memref<512xf32, #tpu.memory_space<vmem>>[vector<16xi32>], vector<16xf32>, vector<16xi1>
    %get3A_420 = arith.constant 96 : index
    %get3A_421 = tpu.vector_load %arg5[%get3A_420] {strides = array<i32>} : memref<128xi32, #tpu.memory_space<vmem>>, vector<16xi32>,
    %get3A_422 = arith.constant 96 : index
    %get3A_423 = tpu.vector_load %arg6[%get3A_422] {strides = array<i32>} : memref<128xf32, #tpu.memory_space<vmem>>, vector<16xf32>,
    %iota3A_424 = tpu.iota {dimensions = array<i32: 0>} : vector<16xi32>
    %jit3A_425 = arith.constant 2 : i32
    %div3A_426 = vector.broadcast %jit3A_425 : i32 to vector<16xi32>
    %div3A_427 = arith.divsi %iota3A_424, %div3A_426 : vector<16xi32>
    %sign3A_428 = arith.constant 0 : i32
    %sign3A_429 = vector.broadcast %sign3A_428 : i32 to vector<16xi32>
    %sign3A_430 = arith.cmpi sgt, %iota3A_424, %sign3A_429 : vector<16xi32>
    %sign3A_431 = arith.extui %sign3A_430 : vector<16xi1> to vector<16xi32>
    %sign3A_432 = arith.constant 0 : i32
    %sign3A_433 = vector.broadcast %sign3A_432 : i32 to vector<16xi32>
    %sign3A_434 = arith.cmpi slt, %iota3A_424, %sign3A_433 : vector<16xi32>
    %sign3A_435 = arith.extui %sign3A_434 : vector<16xi1> to vector<16xi32>
    %sign3A_436 = arith.subi %sign3A_431, %sign3A_435 : vector<16xi32>
    %sign3A_437 = arith.constant 0 : i32
    %sign3A_438 = arith.cmpi sgt, %jit3A_425, %sign3A_437 : i32
    %sign3A_439 = arith.extui %sign3A_438 : i1 to i32
    %sign3A_440 = arith.constant 0 : i32
    %sign3A_441 = arith.cmpi slt, %jit3A_425, %sign3A_440 : i32
    %sign3A_442 = arith.extui %sign3A_441 : i1 to i32
    %sign3A_443 = arith.subi %sign3A_439, %sign3A_442 : i32
    %ne3A_444 = vector.broadcast %sign3A_443 : i32 to vector<16xi32>
    %ne3A_445 = arith.cmpi ne, %sign3A_436, %ne3A_444 : vector<16xi32>
    %rem3A_446 = vector.broadcast %jit3A_425 : i32 to vector<16xi32>
    %rem3A_447 = arith.remsi %iota3A_424, %rem3A_446 : vector<16xi32>
    %ne3A_448 = arith.constant 0 : i32
    %ne3A_449 = vector.broadcast %ne3A_448 : i32 to vector<16xi32>
    %ne3A_450 = arith.cmpi ne, %rem3A_447, %ne3A_449 : vector<16xi32>
    %and3A_451 = arith.andi %ne3A_445, %ne3A_450 : vector<16xi1>
    %sub3A_452 = arith.constant 1 : i32
    %sub3A_453 = vector.broadcast %sub3A_452 : i32 to vector<16xi32>
    %sub3A_454 = arith.subi %div3A_427, %sub3A_453 : vector<16xi32>
    %select_n3A_455 = arith.select %and3A_451, %sub3A_454, %div3A_427 : vector<16xi1>, vector<16xi32>
    %add3A_456 = arith.constant 48 : i32
    %add3A_457 = vector.broadcast %add3A_456 : i32 to vector<16xi32>
    %add3A_458 = arith.addi %select_n3A_455, %add3A_457 : vector<16xi32>
    %mul3A_459 = arith.constant 8 : i32
    %mul3A_460 = vector.broadcast %mul3A_459 : i32 to vector<16xi32>
    %mul3A_461 = arith.muli %add3A_458, %mul3A_460 : vector<16xi32>
    %add3A_462 = arith.addi %mul3A_461, %get3A_421 : vector<16xi32>
    %eq3A_463 = arith.constant 0 : i32
    %eq3A_464 = vector.broadcast %eq3A_463 : i32 to vector<16xi32>
    %eq3A_465 = arith.cmpi eq, %rem3A_134, %eq3A_464 : vector<16xi32>
    tpu.vector_store_idx %arg7[%add3A_462], %get3A_423 masked %eq3A_465 {add = true} : memref<512xf32, #tpu.memory_space<vmem>>[vector<16xi32>], vector<16xf32>, vector<16xi1>
    %eq3A_466 = arith.constant 1 : i32
    %eq3A_467 = vector.broadcast %eq3A_466 : i32 to vector<16xi32>
    %eq3A_468 = arith.cmpi eq, %rem3A_134, %eq3A_467 : vector<16xi32>
    tpu.vector_store_idx %arg7[%add3A_462], %get3A_423 masked %eq3A_468 {add = true} : memref<512xf32, #tpu.memory_space<vmem>>[vector<16xi32>], vector<16xf32>, vector<16xi1>
    %get3A_469 = arith.constant 112 : index
    %get3A_470 = tpu.vector_load %arg5[%get3A_469] {strides = array<i32>} : memref<128xi32, #tpu.memory_space<vmem>>, vector<16xi32>,
    %get3A_471 = arith.constant 112 : index
    %get3A_472 = tpu.vector_load %arg6[%get3A_471] {strides = array<i32>} : memref<128xf32, #tpu.memory_space<vmem>>, vector<16xf32>,
    %iota3A_473 = tpu.iota {dimensions = array<i32: 0>} : vector<16xi32>
    %jit3A_474 = arith.constant 2 : i32
    %div3A_475 = vector.broadcast %jit3A_474 : i32 to vector<16xi32>
    %div3A_476 = arith.divsi %iota3A_473, %div3A_475 : vector<16xi32>
    %sign3A_477 = arith.constant 0 : i32
    %sign3A_478 = vector.broadcast %sign3A_477 : i32 to vector<16xi32>
    %sign3A_479 = arith.cmpi sgt, %iota3A_473, %sign3A_478 : vector<16xi32>
    %sign3A_480 = arith.extui %sign3A_479 : vector<16xi1> to vector<16xi32>
    %sign3A_481 = arith.constant 0 : i32
    %sign3A_482 = vector.broadcast %sign3A_481 : i32 to vector<16xi32>
    %sign3A_483 = arith.cmpi slt, %iota3A_473, %sign3A_482 : vector<16xi32>
    %sign3A_484 = arith.extui %sign3A_483 : vector<16xi1> to vector<16xi32>
    %sign3A_485 = arith.subi %sign3A_480, %sign3A_484 : vector<16xi32>
    %sign3A_486 = arith.constant 0 : i32
    %sign3A_487 = arith.cmpi sgt, %jit3A_474, %sign3A_486 : i32
    %sign3A_488 = arith.extui %sign3A_487 : i1 to i32
    %sign3A_489 = arith.constant 0 : i32
    %sign3A_490 = arith.cmpi slt, %jit3A_474, %sign3A_489 : i32
    %sign3A_491 = arith.extui %sign3A_490 : i1 to i32
    %sign3A_492 = arith.subi %sign3A_488, %sign3A_491 : i32
    %ne3A_493 = vector.broadcast %sign3A_492 : i32 to vector<16xi32>
    %ne3A_494 = arith.cmpi ne, %sign3A_485, %ne3A_493 : vector<16xi32>
    %rem3A_495 = vector.broadcast %jit3A_474 : i32 to vector<16xi32>
    %rem3A_496 = arith.remsi %iota3A_473, %rem3A_495 : vector<16xi32>
    %ne3A_497 = arith.constant 0 : i32
    %ne3A_498 = vector.broadcast %ne3A_497 : i32 to vector<16xi32>
    %ne3A_499 = arith.cmpi ne, %rem3A_496, %ne3A_498 : vector<16xi32>
    %and3A_500 = arith.andi %ne3A_494, %ne3A_499 : vector<16xi1>
    %sub3A_501 = arith.constant 1 : i32
    %sub3A_502 = vector.broadcast %sub3A_501 : i32 to vector<16xi32>
    %sub3A_503 = arith.subi %div3A_476, %sub3A_502 : vector<16xi32>
    %select_n3A_504 = arith.select %and3A_500, %sub3A_503, %div3A_476 : vector<16xi1>, vector<16xi32>
    %add3A_505 = arith.constant 56 : i32
    %add3A_506 = vector.broadcast %add3A_505 : i32 to vector<16xi32>
    %add3A_507 = arith.addi %select_n3A_504, %add3A_506 : vector<16xi32>
    %mul3A_508 = arith.constant 8 : i32
    %mul3A_509 = vector.broadcast %mul3A_508 : i32 to vector<16xi32>
    %mul3A_510 = arith.muli %add3A_507, %mul3A_509 : vector<16xi32>
    %add3A_511 = arith.addi %mul3A_510, %get3A_470 : vector<16xi32>
    %eq3A_512 = arith.constant 0 : i32
    %eq3A_513 = vector.broadcast %eq3A_512 : i32 to vector<16xi32>
    %eq3A_514 = arith.cmpi eq, %rem3A_134, %eq3A_513 : vector<16xi32>
    tpu.vector_store_idx %arg7[%add3A_511], %get3A_472 masked %eq3A_514 {add = true} : memref<512xf32, #tpu.memory_space<vmem>>[vector<16xi32>], vector<16xf32>, vector<16xi1>
    %eq3A_515 = arith.constant 1 : i32
    %eq3A_516 = vector.broadcast %eq3A_515 : i32 to vector<16xi32>
    %eq3A_517 = arith.cmpi eq, %rem3A_134, %eq3A_516 : vector<16xi32>
    tpu.vector_store_idx %arg7[%add3A_511], %get3A_472 masked %eq3A_517 {add = true} : memref<512xf32, #tpu.memory_space<vmem>>[vector<16xi32>], vector<16xf32>, vector<16xi1>
    %mul3A_518 = arith.constant 8 : i32
    %mul3A_519 = arith.muli %mul3A_2, %mul3A_518 : i32
    "tpu.region"() ({
      %run_scoped3A = tpu.sem_alloc : memref<!tpu.dma_semaphore, #tpu.memory_space<semaphore_mem>>
      %dma_start3A = tpu.memref_slice %arg4[%mul3A_519] : memref<16384xf32, #tpu.memory_space<hbm>> -> memref<512xf32, #tpu.memory_space<hbm>>
      %dma_start3A_520 = tpu.memref_slice %arg4[%mul3A_519] : memref<16384xf32, #tpu.memory_space<hbm>> -> memref<512xf32, #tpu.memory_space<hbm>>
      tpu.enqueue_dma source(%arg7 : memref<512xf32, #tpu.memory_space<vmem>>) target(%dma_start3A_520 : memref<512xf32, #tpu.memory_space<hbm>>) target_semaphore(%run_scoped3A : memref<!tpu.dma_semaphore, #tpu.memory_space<semaphore_mem>>)
      %dma_wait3A = tpu.memref_slice %arg4[%mul3A_519] : memref<16384xf32, #tpu.memory_space<hbm>> -> memref<512xf32, #tpu.memory_space<hbm>>
      %dma_wait3A_521 = tpu.memref_slice %arg4[%mul3A_519] : memref<16384xf32, #tpu.memory_space<hbm>> -> memref<512xf32, #tpu.memory_space<hbm>>
      tpu.wait_dma2 semaphore(%run_scoped3A : memref<!tpu.dma_semaphore, #tpu.memory_space<semaphore_mem>>) src(%arg7 : memref<512xf32, #tpu.memory_space<vmem>>) dst(%dma_wait3A_521 : memref<512xf32, #tpu.memory_space<hbm>>)
      tpu.yield
    }) : () -> ()
    return
  }
}

module attributes {stable_mosaic.version = 14 : i64} {
  func.func @_moe_body(%arg0: i32, %arg1: memref<2048x8xf32, #tpu.memory_space<vmem>>, %arg2: memref<2048x768xf32, #tpu.memory_space<any>>, %arg3: memref<1x768x768xf32, #tpu.memory_space<vmem>>, %arg4: memref<8x768xf32, #tpu.memory_space<vmem>>, %arg5: memref<2048x768xf32, #tpu.memory_space<any>>, %arg6: memref<4x512x768xbf16, #tpu.memory_space<vmem>>, %arg7: memref<4x512x768xf32, #tpu.memory_space<vmem>>, %arg8: memref<768x768xbf16, #tpu.memory_space<vmem>>, %arg9: memref<4x512x768xf32, #tpu.memory_space<vmem>>, %arg10: memref<4x!tpu.dma_semaphore, #tpu.memory_space<semaphore_mem>>, %arg11: memref<4x!tpu.dma_semaphore, #tpu.memory_space<semaphore_mem>>) attributes {dimension_semantics = [#tpu.dimension_semantics<arbitrary>], iteration_bounds = array<i64: 8>, scalar_prefetch = 0 : i64, scratch_operands = 6 : i64, tpu.core_type = #tpu.core_type<tc>, window_params = [{pipeline_mode = #tpu.pipeline_mode<synchronous>, transform_indices = @transform_0, window_bounds = array<i64: 2048, 8>}, {}, {transform_indices = @transform_2, window_bounds = array<i64: 1, 768, 768>}, {pipeline_mode = #tpu.pipeline_mode<synchronous>, transform_indices = @transform_3, window_bounds = array<i64: 8, 768>}, {}]} {
    %get3A = arith.constant 0 : index
    %get3A_0 = arith.constant 0 : index
    %get3A_1 = arith.constant 0 : index
    %get3A_2 = vector.load %arg3[%get3A, %get3A_0, %get3A_1] : memref<1x768x768xf32, #tpu.memory_space<vmem>>, vector<1x768x768xf32>
    %get3A_3 = vector.shape_cast %get3A_2 : vector<1x768x768xf32> to vector<768x768xf32>
    %convert_element_type3A = arith.truncf %get3A_3 : vector<768x768xf32> to vector<768x768xbf16>
    %swap3A = arith.constant 0 : index
    %swap3A_4 = arith.constant 0 : index
    %swap3A_5 = vector.load %arg8[%swap3A, %swap3A_4] : memref<768x768xbf16, #tpu.memory_space<vmem>>, vector<768x768xbf16>
    tpu.vector_store %arg8[%swap3A, %swap3A_4], %convert_element_type3A {strides = array<i32>} : memref<768x768xbf16, #tpu.memory_space<vmem>>, vector<768x768xbf16>,
    %iota3A = tpu.iota {dimensions = array<i32: 0>} : vector<8x1xi32>
    %eq3A = vector.broadcast %arg0 : i32 to vector<8x1xi32>
    %eq3A_6 = arith.cmpi eq, %iota3A, %eq3A : vector<8x1xi32>
    %convert_element_type3A_7 = arith.extui %eq3A_6 : vector<8x1xi1> to vector<8x1xi32>
    %convert_element_type3A_8 = arith.sitofp %convert_element_type3A_7 : vector<8x1xi32> to vector<8x1xf32>
    %eq3A_9 = arith.constant 0 : i32
    %eq3A_10 = arith.cmpi eq, %arg0, %eq3A_9 : i32
    %convert_element_type3A_11 = arith.extui %eq3A_10 : i1 to i32
    %cond3A = arith.constant 0 : i32
    %cond3A_12 = arith.cmpi ne, %convert_element_type3A_11, %cond3A : i32
    scf.if %cond3A_12 {
      %dma_start3A = arith.constant 0 : i32
      %dma_start3A_23 = arith.constant 0 : i32
      %dma_start3A_24 = tpu.memref_slice %arg10[%dma_start3A_23] : memref<4x!tpu.dma_semaphore, #tpu.memory_space<semaphore_mem>> -> memref<1x!tpu.dma_semaphore, #tpu.memory_space<semaphore_mem>>
      %dma_start3A_25 = tpu.memref_squeeze %dma_start3A_24 : memref<1x!tpu.dma_semaphore, #tpu.memory_space<semaphore_mem>> -> memref<!tpu.dma_semaphore, #tpu.memory_space<semaphore_mem>>
      %dma_start3A_26 = arith.constant 0 : i32
      %dma_start3A_27 = arith.constant 0 : i32
      %dma_start3A_28 = tpu.memref_slice %arg9[%dma_start3A, %dma_start3A_26, %dma_start3A_27] : memref<4x512x768xf32, #tpu.memory_space<vmem>> -> memref<1x512x768xf32, #tpu.memory_space<vmem>>
      %dma_start3A_29 = tpu.memref_squeeze %dma_start3A_28 : memref<1x512x768xf32, #tpu.memory_space<vmem>> -> memref<512x768xf32, #tpu.memory_space<vmem>>
      %dma_start3A_30 = arith.constant 0 : i32
      %dma_start3A_31 = arith.constant 0 : i32
      %dma_start3A_32 = tpu.memref_slice %arg2[%dma_start3A_30, %dma_start3A_31] : memref<2048x768xf32, #tpu.memory_space<any>> -> memref<512x768xf32, #tpu.memory_space<any>>
      tpu.enqueue_dma source(%dma_start3A_32 : memref<512x768xf32, #tpu.memory_space<any>>) target(%dma_start3A_29 : memref<512x768xf32, #tpu.memory_space<vmem>>) target_semaphore(%dma_start3A_25 : memref<!tpu.dma_semaphore, #tpu.memory_space<semaphore_mem>>)
      %dma_start3A_33 = arith.constant 1 : i32
      %dma_start3A_34 = arith.constant 1 : i32
      %dma_start3A_35 = tpu.memref_slice %arg10[%dma_start3A_34] : memref<4x!tpu.dma_semaphore, #tpu.memory_space<semaphore_mem>> -> memref<1x!tpu.dma_semaphore, #tpu.memory_space<semaphore_mem>>
      %dma_start3A_36 = tpu.memref_squeeze %dma_start3A_35 : memref<1x!tpu.dma_semaphore, #tpu.memory_space<semaphore_mem>> -> memref<!tpu.dma_semaphore, #tpu.memory_space<semaphore_mem>>
      %dma_start3A_37 = arith.constant 0 : i32
      %dma_start3A_38 = arith.constant 0 : i32
      %dma_start3A_39 = tpu.memref_slice %arg9[%dma_start3A_33, %dma_start3A_37, %dma_start3A_38] : memref<4x512x768xf32, #tpu.memory_space<vmem>> -> memref<1x512x768xf32, #tpu.memory_space<vmem>>
      %dma_start3A_40 = tpu.memref_squeeze %dma_start3A_39 : memref<1x512x768xf32, #tpu.memory_space<vmem>> -> memref<512x768xf32, #tpu.memory_space<vmem>>
      %dma_start3A_41 = arith.constant 512 : i32
      %dma_start3A_42 = arith.constant 0 : i32
      %dma_start3A_43 = tpu.memref_slice %arg2[%dma_start3A_41, %dma_start3A_42] : memref<2048x768xf32, #tpu.memory_space<any>> -> memref<512x768xf32, #tpu.memory_space<any>>
      tpu.enqueue_dma source(%dma_start3A_43 : memref<512x768xf32, #tpu.memory_space<any>>) target(%dma_start3A_40 : memref<512x768xf32, #tpu.memory_space<vmem>>) target_semaphore(%dma_start3A_36 : memref<!tpu.dma_semaphore, #tpu.memory_space<semaphore_mem>>)
      %dma_start3A_44 = arith.constant 2 : i32
      %dma_start3A_45 = arith.constant 2 : i32
      %dma_start3A_46 = tpu.memref_slice %arg10[%dma_start3A_45] : memref<4x!tpu.dma_semaphore, #tpu.memory_space<semaphore_mem>> -> memref<1x!tpu.dma_semaphore, #tpu.memory_space<semaphore_mem>>
      %dma_start3A_47 = tpu.memref_squeeze %dma_start3A_46 : memref<1x!tpu.dma_semaphore, #tpu.memory_space<semaphore_mem>> -> memref<!tpu.dma_semaphore, #tpu.memory_space<semaphore_mem>>
      %dma_start3A_48 = arith.constant 0 : i32
      %dma_start3A_49 = arith.constant 0 : i32
      %dma_start3A_50 = tpu.memref_slice %arg9[%dma_start3A_44, %dma_start3A_48, %dma_start3A_49] : memref<4x512x768xf32, #tpu.memory_space<vmem>> -> memref<1x512x768xf32, #tpu.memory_space<vmem>>
      %dma_start3A_51 = tpu.memref_squeeze %dma_start3A_50 : memref<1x512x768xf32, #tpu.memory_space<vmem>> -> memref<512x768xf32, #tpu.memory_space<vmem>>
      %dma_start3A_52 = arith.constant 1024 : i32
      %dma_start3A_53 = arith.constant 0 : i32
      %dma_start3A_54 = tpu.memref_slice %arg2[%dma_start3A_52, %dma_start3A_53] : memref<2048x768xf32, #tpu.memory_space<any>> -> memref<512x768xf32, #tpu.memory_space<any>>
      tpu.enqueue_dma source(%dma_start3A_54 : memref<512x768xf32, #tpu.memory_space<any>>) target(%dma_start3A_51 : memref<512x768xf32, #tpu.memory_space<vmem>>) target_semaphore(%dma_start3A_47 : memref<!tpu.dma_semaphore, #tpu.memory_space<semaphore_mem>>)
      %dma_start3A_55 = arith.constant 3 : i32
      %dma_start3A_56 = arith.constant 3 : i32
      %dma_start3A_57 = tpu.memref_slice %arg10[%dma_start3A_56] : memref<4x!tpu.dma_semaphore, #tpu.memory_space<semaphore_mem>> -> memref<1x!tpu.dma_semaphore, #tpu.memory_space<semaphore_mem>>
      %dma_start3A_58 = tpu.memref_squeeze %dma_start3A_57 : memref<1x!tpu.dma_semaphore, #tpu.memory_space<semaphore_mem>> -> memref<!tpu.dma_semaphore, #tpu.memory_space<semaphore_mem>>
      %dma_start3A_59 = arith.constant 0 : i32
      %dma_start3A_60 = arith.constant 0 : i32
      %dma_start3A_61 = tpu.memref_slice %arg9[%dma_start3A_55, %dma_start3A_59, %dma_start3A_60] : memref<4x512x768xf32, #tpu.memory_space<vmem>> -> memref<1x512x768xf32, #tpu.memory_space<vmem>>
      %dma_start3A_62 = tpu.memref_squeeze %dma_start3A_61 : memref<1x512x768xf32, #tpu.memory_space<vmem>> -> memref<512x768xf32, #tpu.memory_space<vmem>>
      %dma_start3A_63 = arith.constant 1536 : i32
      %dma_start3A_64 = arith.constant 0 : i32
      %dma_start3A_65 = tpu.memref_slice %arg2[%dma_start3A_63, %dma_start3A_64] : memref<2048x768xf32, #tpu.memory_space<any>> -> memref<512x768xf32, #tpu.memory_space<any>>
      tpu.enqueue_dma source(%dma_start3A_65 : memref<512x768xf32, #tpu.memory_space<any>>) target(%dma_start3A_62 : memref<512x768xf32, #tpu.memory_space<vmem>>) target_semaphore(%dma_start3A_58 : memref<!tpu.dma_semaphore, #tpu.memory_space<semaphore_mem>>)
      %dma_wait3A = arith.constant 0 : i32
      %dma_wait3A_66 = arith.constant 0 : i32
      %dma_wait3A_67 = tpu.memref_slice %arg10[%dma_wait3A_66] : memref<4x!tpu.dma_semaphore, #tpu.memory_space<semaphore_mem>> -> memref<1x!tpu.dma_semaphore, #tpu.memory_space<semaphore_mem>>
      %dma_wait3A_68 = tpu.memref_squeeze %dma_wait3A_67 : memref<1x!tpu.dma_semaphore, #tpu.memory_space<semaphore_mem>> -> memref<!tpu.dma_semaphore, #tpu.memory_space<semaphore_mem>>
      %dma_wait3A_69 = arith.constant 0 : i32
      %dma_wait3A_70 = arith.constant 0 : i32
      %dma_wait3A_71 = tpu.memref_slice %arg9[%dma_wait3A, %dma_wait3A_69, %dma_wait3A_70] : memref<4x512x768xf32, #tpu.memory_space<vmem>> -> memref<1x512x768xf32, #tpu.memory_space<vmem>>
      %dma_wait3A_72 = tpu.memref_squeeze %dma_wait3A_71 : memref<1x512x768xf32, #tpu.memory_space<vmem>> -> memref<512x768xf32, #tpu.memory_space<vmem>>
      %dma_wait3A_73 = arith.constant 0 : i32
      %dma_wait3A_74 = arith.constant 0 : i32
      %dma_wait3A_75 = tpu.memref_slice %arg2[%dma_wait3A_73, %dma_wait3A_74] : memref<2048x768xf32, #tpu.memory_space<any>> -> memref<512x768xf32, #tpu.memory_space<any>>
      tpu.wait_dma2 semaphore(%dma_wait3A_68 : memref<!tpu.dma_semaphore, #tpu.memory_space<semaphore_mem>>) src(%dma_wait3A_75 : memref<512x768xf32, #tpu.memory_space<any>>) dst(%dma_wait3A_72 : memref<512x768xf32, #tpu.memory_space<vmem>>)
      %get3A_76 = arith.constant 0 : index
      %get3A_77 = arith.constant 0 : index
      %get3A_78 = arith.constant 0 : index
      %get3A_79 = vector.load %arg9[%get3A_76, %get3A_77, %get3A_78] : memref<4x512x768xf32, #tpu.memory_space<vmem>>, vector<1x512x768xf32>
      %get3A_80 = vector.shape_cast %get3A_79 : vector<1x512x768xf32> to vector<512x768xf32>
      %convert_element_type3A_81 = arith.truncf %get3A_80 : vector<512x768xf32> to vector<512x768xbf16>
      %swap3A_82 = arith.constant 0 : index
      %swap3A_83 = arith.constant 0 : index
      %swap3A_84 = arith.constant 0 : index
      %swap3A_85 = vector.load %arg6[%swap3A_82, %swap3A_83, %swap3A_84] : memref<4x512x768xbf16, #tpu.memory_space<vmem>>, vector<1x512x768xbf16>
      %swap3A_86 = vector.shape_cast %swap3A_85 : vector<1x512x768xbf16> to vector<512x768xbf16>
      %swap3A_87 = vector.shape_cast %convert_element_type3A_81 : vector<512x768xbf16> to vector<1x512x768xbf16>
      tpu.vector_store %arg6[%swap3A_82, %swap3A_83, %swap3A_84], %swap3A_87 {strides = array<i32>} : memref<4x512x768xbf16, #tpu.memory_space<vmem>>, vector<1x512x768xbf16>,
      %get3A_88 = arith.constant 0 : index
      %get3A_89 = arith.constant 0 : index
      %get3A_90 = vector.load %arg1[%get3A_88, %get3A_89] : memref<2048x8xf32, #tpu.memory_space<vmem>>, vector<512x8xf32>
      %dot_general3A = arith.constant dense<0.000000e+00> : vector<512x1xf32>
      %dot_general3A_91 = tpu.matmul %get3A_90, %convert_element_type3A_8, %dot_general3A {dimension_numbers = #tpu.dot_dimension_numbers<[1], [0], [0], [1], [0, 0, 1, 1], [], []>, transpose_lhs_hint = false} : vector<512x8xf32>, vector<8x1xf32>, vector<512x1xf32> -> vector<512x1xf32>
      %get3A_92 = arith.constant 0 : index
      %get3A_93 = arith.constant 0 : index
      %get3A_94 = arith.constant 0 : index
      %get3A_95 = vector.load %arg6[%get3A_92, %get3A_93, %get3A_94] : memref<4x512x768xbf16, #tpu.memory_space<vmem>>, vector<1x512x768xbf16>
      %get3A_96 = vector.shape_cast %get3A_95 : vector<1x512x768xbf16> to vector<512x768xbf16>
      %get3A_97 = arith.constant 0 : index
      %get3A_98 = arith.constant 0 : index
      %get3A_99 = vector.load %arg8[%get3A_97, %get3A_98] : memref<768x768xbf16, #tpu.memory_space<vmem>>, vector<768x768xbf16>
      %dot_general3A_100 = arith.constant dense<0.000000e+00> : vector<512x768xf32>
      %dot_general3A_101 = tpu.matmul %get3A_96, %get3A_99, %dot_general3A_100 {dimension_numbers = #tpu.dot_dimension_numbers<[1], [0], [0], [1], [0, 0, 1, 1], [], []>, transpose_lhs_hint = false} : vector<512x768xbf16>, vector<768x768xbf16>, vector<512x768xf32> -> vector<512x768xf32>
      %get3A_102 = arith.constant 0 : index
      %get3A_103 = arith.constant 0 : index
      %get3A_104 = vector.load %arg1[%get3A_102, %get3A_103] : memref<2048x8xf32, #tpu.memory_space<vmem>>, vector<512x8xf32>
      %get3A_105 = arith.constant 0 : index
      %get3A_106 = arith.constant 0 : index
      %get3A_107 = vector.load %arg4[%get3A_105, %get3A_106] : memref<8x768xf32, #tpu.memory_space<vmem>>, vector<8x768xf32>
      %dot_general3A_108 = arith.constant dense<0.000000e+00> : vector<512x768xf32>
      %dot_general3A_109 = tpu.matmul %get3A_104, %get3A_107, %dot_general3A_108 {dimension_numbers = #tpu.dot_dimension_numbers<[1], [0], [0], [1], [0, 0, 1, 1], [], []>, transpose_lhs_hint = false} : vector<512x8xf32>, vector<8x768xf32>, vector<512x768xf32> -> vector<512x768xf32>
      %mul3A = vector.broadcast %dot_general3A_91 : vector<512x1xf32> to vector<512x768xf32>
      %mul3A_110 = arith.mulf %mul3A, %dot_general3A_101 : vector<512x768xf32>
      %add3A = arith.addf %dot_general3A_109, %mul3A_110 : vector<512x768xf32>
      %swap3A_111 = arith.constant 0 : index
      %swap3A_112 = arith.constant 0 : index
      %swap3A_113 = arith.constant 0 : index
      %swap3A_114 = vector.load %arg7[%swap3A_111, %swap3A_112, %swap3A_113] : memref<4x512x768xf32, #tpu.memory_space<vmem>>, vector<1x512x768xf32>
      %swap3A_115 = vector.shape_cast %swap3A_114 : vector<1x512x768xf32> to vector<512x768xf32>
      %swap3A_116 = vector.shape_cast %add3A : vector<512x768xf32> to vector<1x512x768xf32>
      tpu.vector_store %arg7[%swap3A_111, %swap3A_112, %swap3A_113], %swap3A_116 {strides = array<i32>} : memref<4x512x768xf32, #tpu.memory_space<vmem>>, vector<1x512x768xf32>,
      %dma_wait3A_117 = arith.constant 1 : i32
      %dma_wait3A_118 = arith.constant 1 : i32
      %dma_wait3A_119 = tpu.memref_slice %arg10[%dma_wait3A_118] : memref<4x!tpu.dma_semaphore, #tpu.memory_space<semaphore_mem>> -> memref<1x!tpu.dma_semaphore, #tpu.memory_space<semaphore_mem>>
      %dma_wait3A_120 = tpu.memref_squeeze %dma_wait3A_119 : memref<1x!tpu.dma_semaphore, #tpu.memory_space<semaphore_mem>> -> memref<!tpu.dma_semaphore, #tpu.memory_space<semaphore_mem>>
      %dma_wait3A_121 = arith.constant 0 : i32
      %dma_wait3A_122 = arith.constant 0 : i32
      %dma_wait3A_123 = tpu.memref_slice %arg9[%dma_wait3A_117, %dma_wait3A_121, %dma_wait3A_122] : memref<4x512x768xf32, #tpu.memory_space<vmem>> -> memref<1x512x768xf32, #tpu.memory_space<vmem>>
      %dma_wait3A_124 = tpu.memref_squeeze %dma_wait3A_123 : memref<1x512x768xf32, #tpu.memory_space<vmem>> -> memref<512x768xf32, #tpu.memory_space<vmem>>
      %dma_wait3A_125 = arith.constant 512 : i32
      %dma_wait3A_126 = arith.constant 0 : i32
      %dma_wait3A_127 = tpu.memref_slice %arg2[%dma_wait3A_125, %dma_wait3A_126] : memref<2048x768xf32, #tpu.memory_space<any>> -> memref<512x768xf32, #tpu.memory_space<any>>
      tpu.wait_dma2 semaphore(%dma_wait3A_120 : memref<!tpu.dma_semaphore, #tpu.memory_space<semaphore_mem>>) src(%dma_wait3A_127 : memref<512x768xf32, #tpu.memory_space<any>>) dst(%dma_wait3A_124 : memref<512x768xf32, #tpu.memory_space<vmem>>)
      %get3A_128 = arith.constant 1 : index
      %get3A_129 = arith.constant 0 : index
      %get3A_130 = arith.constant 0 : index
      %get3A_131 = vector.load %arg9[%get3A_128, %get3A_129, %get3A_130] : memref<4x512x768xf32, #tpu.memory_space<vmem>>, vector<1x512x768xf32>
      %get3A_132 = vector.shape_cast %get3A_131 : vector<1x512x768xf32> to vector<512x768xf32>
      %convert_element_type3A_133 = arith.truncf %get3A_132 : vector<512x768xf32> to vector<512x768xbf16>
      %swap3A_134 = arith.constant 1 : index
      %swap3A_135 = arith.constant 0 : index
      %swap3A_136 = arith.constant 0 : index
      %swap3A_137 = vector.load %arg6[%swap3A_134, %swap3A_135, %swap3A_136] : memref<4x512x768xbf16, #tpu.memory_space<vmem>>, vector<1x512x768xbf16>
      %swap3A_138 = vector.shape_cast %swap3A_137 : vector<1x512x768xbf16> to vector<512x768xbf16>
      %swap3A_139 = vector.shape_cast %convert_element_type3A_133 : vector<512x768xbf16> to vector<1x512x768xbf16>
      tpu.vector_store %arg6[%swap3A_134, %swap3A_135, %swap3A_136], %swap3A_139 {strides = array<i32>} : memref<4x512x768xbf16, #tpu.memory_space<vmem>>, vector<1x512x768xbf16>,
      %get3A_140 = arith.constant 512 : index
      %get3A_141 = arith.constant 0 : index
      %get3A_142 = vector.load %arg1[%get3A_140, %get3A_141] : memref<2048x8xf32, #tpu.memory_space<vmem>>, vector<512x8xf32>
      %dot_general3A_143 = arith.constant dense<0.000000e+00> : vector<512x1xf32>
      %dot_general3A_144 = tpu.matmul %get3A_142, %convert_element_type3A_8, %dot_general3A_143 {dimension_numbers = #tpu.dot_dimension_numbers<[1], [0], [0], [1], [0, 0, 1, 1], [], []>, transpose_lhs_hint = false} : vector<512x8xf32>, vector<8x1xf32>, vector<512x1xf32> -> vector<512x1xf32>
      %get3A_145 = arith.constant 1 : index
      %get3A_146 = arith.constant 0 : index
      %get3A_147 = arith.constant 0 : index
      %get3A_148 = vector.load %arg6[%get3A_145, %get3A_146, %get3A_147] : memref<4x512x768xbf16, #tpu.memory_space<vmem>>, vector<1x512x768xbf16>
      %get3A_149 = vector.shape_cast %get3A_148 : vector<1x512x768xbf16> to vector<512x768xbf16>
      %get3A_150 = arith.constant 0 : index
      %get3A_151 = arith.constant 0 : index
      %get3A_152 = vector.load %arg8[%get3A_150, %get3A_151] : memref<768x768xbf16, #tpu.memory_space<vmem>>, vector<768x768xbf16>
      %dot_general3A_153 = arith.constant dense<0.000000e+00> : vector<512x768xf32>
      %dot_general3A_154 = tpu.matmul %get3A_149, %get3A_152, %dot_general3A_153 {dimension_numbers = #tpu.dot_dimension_numbers<[1], [0], [0], [1], [0, 0, 1, 1], [], []>, transpose_lhs_hint = false} : vector<512x768xbf16>, vector<768x768xbf16>, vector<512x768xf32> -> vector<512x768xf32>
      %get3A_155 = arith.constant 512 : index
      %get3A_156 = arith.constant 0 : index
      %get3A_157 = vector.load %arg1[%get3A_155, %get3A_156] : memref<2048x8xf32, #tpu.memory_space<vmem>>, vector<512x8xf32>
      %get3A_158 = arith.constant 0 : index
      %get3A_159 = arith.constant 0 : index
      %get3A_160 = vector.load %arg4[%get3A_158, %get3A_159] : memref<8x768xf32, #tpu.memory_space<vmem>>, vector<8x768xf32>
      %dot_general3A_161 = arith.constant dense<0.000000e+00> : vector<512x768xf32>
      %dot_general3A_162 = tpu.matmul %get3A_157, %get3A_160, %dot_general3A_161 {dimension_numbers = #tpu.dot_dimension_numbers<[1], [0], [0], [1], [0, 0, 1, 1], [], []>, transpose_lhs_hint = false} : vector<512x8xf32>, vector<8x768xf32>, vector<512x768xf32> -> vector<512x768xf32>
      %mul3A_163 = vector.broadcast %dot_general3A_144 : vector<512x1xf32> to vector<512x768xf32>
      %mul3A_164 = arith.mulf %mul3A_163, %dot_general3A_154 : vector<512x768xf32>
      %add3A_165 = arith.addf %dot_general3A_162, %mul3A_164 : vector<512x768xf32>
      %swap3A_166 = arith.constant 1 : index
      %swap3A_167 = arith.constant 0 : index
      %swap3A_168 = arith.constant 0 : index
      %swap3A_169 = vector.load %arg7[%swap3A_166, %swap3A_167, %swap3A_168] : memref<4x512x768xf32, #tpu.memory_space<vmem>>, vector<1x512x768xf32>
      %swap3A_170 = vector.shape_cast %swap3A_169 : vector<1x512x768xf32> to vector<512x768xf32>
      %swap3A_171 = vector.shape_cast %add3A_165 : vector<512x768xf32> to vector<1x512x768xf32>
      tpu.vector_store %arg7[%swap3A_166, %swap3A_167, %swap3A_168], %swap3A_171 {strides = array<i32>} : memref<4x512x768xf32, #tpu.memory_space<vmem>>, vector<1x512x768xf32>,
      %dma_wait3A_172 = arith.constant 2 : i32
      %dma_wait3A_173 = arith.constant 2 : i32
      %dma_wait3A_174 = tpu.memref_slice %arg10[%dma_wait3A_173] : memref<4x!tpu.dma_semaphore, #tpu.memory_space<semaphore_mem>> -> memref<1x!tpu.dma_semaphore, #tpu.memory_space<semaphore_mem>>
      %dma_wait3A_175 = tpu.memref_squeeze %dma_wait3A_174 : memref<1x!tpu.dma_semaphore, #tpu.memory_space<semaphore_mem>> -> memref<!tpu.dma_semaphore, #tpu.memory_space<semaphore_mem>>
      %dma_wait3A_176 = arith.constant 0 : i32
      %dma_wait3A_177 = arith.constant 0 : i32
      %dma_wait3A_178 = tpu.memref_slice %arg9[%dma_wait3A_172, %dma_wait3A_176, %dma_wait3A_177] : memref<4x512x768xf32, #tpu.memory_space<vmem>> -> memref<1x512x768xf32, #tpu.memory_space<vmem>>
      %dma_wait3A_179 = tpu.memref_squeeze %dma_wait3A_178 : memref<1x512x768xf32, #tpu.memory_space<vmem>> -> memref<512x768xf32, #tpu.memory_space<vmem>>
      %dma_wait3A_180 = arith.constant 1024 : i32
      %dma_wait3A_181 = arith.constant 0 : i32
      %dma_wait3A_182 = tpu.memref_slice %arg2[%dma_wait3A_180, %dma_wait3A_181] : memref<2048x768xf32, #tpu.memory_space<any>> -> memref<512x768xf32, #tpu.memory_space<any>>
      tpu.wait_dma2 semaphore(%dma_wait3A_175 : memref<!tpu.dma_semaphore, #tpu.memory_space<semaphore_mem>>) src(%dma_wait3A_182 : memref<512x768xf32, #tpu.memory_space<any>>) dst(%dma_wait3A_179 : memref<512x768xf32, #tpu.memory_space<vmem>>)
      %get3A_183 = arith.constant 2 : index
      %get3A_184 = arith.constant 0 : index
      %get3A_185 = arith.constant 0 : index
      %get3A_186 = vector.load %arg9[%get3A_183, %get3A_184, %get3A_185] : memref<4x512x768xf32, #tpu.memory_space<vmem>>, vector<1x512x768xf32>
      %get3A_187 = vector.shape_cast %get3A_186 : vector<1x512x768xf32> to vector<512x768xf32>
      %convert_element_type3A_188 = arith.truncf %get3A_187 : vector<512x768xf32> to vector<512x768xbf16>
      %swap3A_189 = arith.constant 2 : index
      %swap3A_190 = arith.constant 0 : index
      %swap3A_191 = arith.constant 0 : index
      %swap3A_192 = vector.load %arg6[%swap3A_189, %swap3A_190, %swap3A_191] : memref<4x512x768xbf16, #tpu.memory_space<vmem>>, vector<1x512x768xbf16>
      %swap3A_193 = vector.shape_cast %swap3A_192 : vector<1x512x768xbf16> to vector<512x768xbf16>
      %swap3A_194 = vector.shape_cast %convert_element_type3A_188 : vector<512x768xbf16> to vector<1x512x768xbf16>
      tpu.vector_store %arg6[%swap3A_189, %swap3A_190, %swap3A_191], %swap3A_194 {strides = array<i32>} : memref<4x512x768xbf16, #tpu.memory_space<vmem>>, vector<1x512x768xbf16>,
      %get3A_195 = arith.constant 1024 : index
      %get3A_196 = arith.constant 0 : index
      %get3A_197 = vector.load %arg1[%get3A_195, %get3A_196] : memref<2048x8xf32, #tpu.memory_space<vmem>>, vector<512x8xf32>
      %dot_general3A_198 = arith.constant dense<0.000000e+00> : vector<512x1xf32>
      %dot_general3A_199 = tpu.matmul %get3A_197, %convert_element_type3A_8, %dot_general3A_198 {dimension_numbers = #tpu.dot_dimension_numbers<[1], [0], [0], [1], [0, 0, 1, 1], [], []>, transpose_lhs_hint = false} : vector<512x8xf32>, vector<8x1xf32>, vector<512x1xf32> -> vector<512x1xf32>
      %get3A_200 = arith.constant 2 : index
      %get3A_201 = arith.constant 0 : index
      %get3A_202 = arith.constant 0 : index
      %get3A_203 = vector.load %arg6[%get3A_200, %get3A_201, %get3A_202] : memref<4x512x768xbf16, #tpu.memory_space<vmem>>, vector<1x512x768xbf16>
      %get3A_204 = vector.shape_cast %get3A_203 : vector<1x512x768xbf16> to vector<512x768xbf16>
      %get3A_205 = arith.constant 0 : index
      %get3A_206 = arith.constant 0 : index
      %get3A_207 = vector.load %arg8[%get3A_205, %get3A_206] : memref<768x768xbf16, #tpu.memory_space<vmem>>, vector<768x768xbf16>
      %dot_general3A_208 = arith.constant dense<0.000000e+00> : vector<512x768xf32>
      %dot_general3A_209 = tpu.matmul %get3A_204, %get3A_207, %dot_general3A_208 {dimension_numbers = #tpu.dot_dimension_numbers<[1], [0], [0], [1], [0, 0, 1, 1], [], []>, transpose_lhs_hint = false} : vector<512x768xbf16>, vector<768x768xbf16>, vector<512x768xf32> -> vector<512x768xf32>
      %get3A_210 = arith.constant 1024 : index
      %get3A_211 = arith.constant 0 : index
      %get3A_212 = vector.load %arg1[%get3A_210, %get3A_211] : memref<2048x8xf32, #tpu.memory_space<vmem>>, vector<512x8xf32>
      %get3A_213 = arith.constant 0 : index
      %get3A_214 = arith.constant 0 : index
      %get3A_215 = vector.load %arg4[%get3A_213, %get3A_214] : memref<8x768xf32, #tpu.memory_space<vmem>>, vector<8x768xf32>
      %dot_general3A_216 = arith.constant dense<0.000000e+00> : vector<512x768xf32>
      %dot_general3A_217 = tpu.matmul %get3A_212, %get3A_215, %dot_general3A_216 {dimension_numbers = #tpu.dot_dimension_numbers<[1], [0], [0], [1], [0, 0, 1, 1], [], []>, transpose_lhs_hint = false} : vector<512x8xf32>, vector<8x768xf32>, vector<512x768xf32> -> vector<512x768xf32>
      %mul3A_218 = vector.broadcast %dot_general3A_199 : vector<512x1xf32> to vector<512x768xf32>
      %mul3A_219 = arith.mulf %mul3A_218, %dot_general3A_209 : vector<512x768xf32>
      %add3A_220 = arith.addf %dot_general3A_217, %mul3A_219 : vector<512x768xf32>
      %swap3A_221 = arith.constant 2 : index
      %swap3A_222 = arith.constant 0 : index
      %swap3A_223 = arith.constant 0 : index
      %swap3A_224 = vector.load %arg7[%swap3A_221, %swap3A_222, %swap3A_223] : memref<4x512x768xf32, #tpu.memory_space<vmem>>, vector<1x512x768xf32>
      %swap3A_225 = vector.shape_cast %swap3A_224 : vector<1x512x768xf32> to vector<512x768xf32>
      %swap3A_226 = vector.shape_cast %add3A_220 : vector<512x768xf32> to vector<1x512x768xf32>
      tpu.vector_store %arg7[%swap3A_221, %swap3A_222, %swap3A_223], %swap3A_226 {strides = array<i32>} : memref<4x512x768xf32, #tpu.memory_space<vmem>>, vector<1x512x768xf32>,
      %dma_wait3A_227 = arith.constant 3 : i32
      %dma_wait3A_228 = arith.constant 3 : i32
      %dma_wait3A_229 = tpu.memref_slice %arg10[%dma_wait3A_228] : memref<4x!tpu.dma_semaphore, #tpu.memory_space<semaphore_mem>> -> memref<1x!tpu.dma_semaphore, #tpu.memory_space<semaphore_mem>>
      %dma_wait3A_230 = tpu.memref_squeeze %dma_wait3A_229 : memref<1x!tpu.dma_semaphore, #tpu.memory_space<semaphore_mem>> -> memref<!tpu.dma_semaphore, #tpu.memory_space<semaphore_mem>>
      %dma_wait3A_231 = arith.constant 0 : i32
      %dma_wait3A_232 = arith.constant 0 : i32
      %dma_wait3A_233 = tpu.memref_slice %arg9[%dma_wait3A_227, %dma_wait3A_231, %dma_wait3A_232] : memref<4x512x768xf32, #tpu.memory_space<vmem>> -> memref<1x512x768xf32, #tpu.memory_space<vmem>>
      %dma_wait3A_234 = tpu.memref_squeeze %dma_wait3A_233 : memref<1x512x768xf32, #tpu.memory_space<vmem>> -> memref<512x768xf32, #tpu.memory_space<vmem>>
      %dma_wait3A_235 = arith.constant 1536 : i32
      %dma_wait3A_236 = arith.constant 0 : i32
      %dma_wait3A_237 = tpu.memref_slice %arg2[%dma_wait3A_235, %dma_wait3A_236] : memref<2048x768xf32, #tpu.memory_space<any>> -> memref<512x768xf32, #tpu.memory_space<any>>
      tpu.wait_dma2 semaphore(%dma_wait3A_230 : memref<!tpu.dma_semaphore, #tpu.memory_space<semaphore_mem>>) src(%dma_wait3A_237 : memref<512x768xf32, #tpu.memory_space<any>>) dst(%dma_wait3A_234 : memref<512x768xf32, #tpu.memory_space<vmem>>)
      %get3A_238 = arith.constant 3 : index
      %get3A_239 = arith.constant 0 : index
      %get3A_240 = arith.constant 0 : index
      %get3A_241 = vector.load %arg9[%get3A_238, %get3A_239, %get3A_240] : memref<4x512x768xf32, #tpu.memory_space<vmem>>, vector<1x512x768xf32>
      %get3A_242 = vector.shape_cast %get3A_241 : vector<1x512x768xf32> to vector<512x768xf32>
      %convert_element_type3A_243 = arith.truncf %get3A_242 : vector<512x768xf32> to vector<512x768xbf16>
      %swap3A_244 = arith.constant 3 : index
      %swap3A_245 = arith.constant 0 : index
      %swap3A_246 = arith.constant 0 : index
      %swap3A_247 = vector.load %arg6[%swap3A_244, %swap3A_245, %swap3A_246] : memref<4x512x768xbf16, #tpu.memory_space<vmem>>, vector<1x512x768xbf16>
      %swap3A_248 = vector.shape_cast %swap3A_247 : vector<1x512x768xbf16> to vector<512x768xbf16>
      %swap3A_249 = vector.shape_cast %convert_element_type3A_243 : vector<512x768xbf16> to vector<1x512x768xbf16>
      tpu.vector_store %arg6[%swap3A_244, %swap3A_245, %swap3A_246], %swap3A_249 {strides = array<i32>} : memref<4x512x768xbf16, #tpu.memory_space<vmem>>, vector<1x512x768xbf16>,
      %get3A_250 = arith.constant 1536 : index
      %get3A_251 = arith.constant 0 : index
      %get3A_252 = vector.load %arg1[%get3A_250, %get3A_251] : memref<2048x8xf32, #tpu.memory_space<vmem>>, vector<512x8xf32>
      %dot_general3A_253 = arith.constant dense<0.000000e+00> : vector<512x1xf32>
      %dot_general3A_254 = tpu.matmul %get3A_252, %convert_element_type3A_8, %dot_general3A_253 {dimension_numbers = #tpu.dot_dimension_numbers<[1], [0], [0], [1], [0, 0, 1, 1], [], []>, transpose_lhs_hint = false} : vector<512x8xf32>, vector<8x1xf32>, vector<512x1xf32> -> vector<512x1xf32>
      %get3A_255 = arith.constant 3 : index
      %get3A_256 = arith.constant 0 : index
      %get3A_257 = arith.constant 0 : index
      %get3A_258 = vector.load %arg6[%get3A_255, %get3A_256, %get3A_257] : memref<4x512x768xbf16, #tpu.memory_space<vmem>>, vector<1x512x768xbf16>
      %get3A_259 = vector.shape_cast %get3A_258 : vector<1x512x768xbf16> to vector<512x768xbf16>
      %get3A_260 = arith.constant 0 : index
      %get3A_261 = arith.constant 0 : index
      %get3A_262 = vector.load %arg8[%get3A_260, %get3A_261] : memref<768x768xbf16, #tpu.memory_space<vmem>>, vector<768x768xbf16>
      %dot_general3A_263 = arith.constant dense<0.000000e+00> : vector<512x768xf32>
      %dot_general3A_264 = tpu.matmul %get3A_259, %get3A_262, %dot_general3A_263 {dimension_numbers = #tpu.dot_dimension_numbers<[1], [0], [0], [1], [0, 0, 1, 1], [], []>, transpose_lhs_hint = false} : vector<512x768xbf16>, vector<768x768xbf16>, vector<512x768xf32> -> vector<512x768xf32>
      %get3A_265 = arith.constant 1536 : index
      %get3A_266 = arith.constant 0 : index
      %get3A_267 = vector.load %arg1[%get3A_265, %get3A_266] : memref<2048x8xf32, #tpu.memory_space<vmem>>, vector<512x8xf32>
      %get3A_268 = arith.constant 0 : index
      %get3A_269 = arith.constant 0 : index
      %get3A_270 = vector.load %arg4[%get3A_268, %get3A_269] : memref<8x768xf32, #tpu.memory_space<vmem>>, vector<8x768xf32>
      %dot_general3A_271 = arith.constant dense<0.000000e+00> : vector<512x768xf32>
      %dot_general3A_272 = tpu.matmul %get3A_267, %get3A_270, %dot_general3A_271 {dimension_numbers = #tpu.dot_dimension_numbers<[1], [0], [0], [1], [0, 0, 1, 1], [], []>, transpose_lhs_hint = false} : vector<512x8xf32>, vector<8x768xf32>, vector<512x768xf32> -> vector<512x768xf32>
      %mul3A_273 = vector.broadcast %dot_general3A_254 : vector<512x1xf32> to vector<512x768xf32>
      %mul3A_274 = arith.mulf %mul3A_273, %dot_general3A_264 : vector<512x768xf32>
      %add3A_275 = arith.addf %dot_general3A_272, %mul3A_274 : vector<512x768xf32>
      %swap3A_276 = arith.constant 3 : index
      %swap3A_277 = arith.constant 0 : index
      %swap3A_278 = arith.constant 0 : index
      %swap3A_279 = vector.load %arg7[%swap3A_276, %swap3A_277, %swap3A_278] : memref<4x512x768xf32, #tpu.memory_space<vmem>>, vector<1x512x768xf32>
      %swap3A_280 = vector.shape_cast %swap3A_279 : vector<1x512x768xf32> to vector<512x768xf32>
      %swap3A_281 = vector.shape_cast %add3A_275 : vector<512x768xf32> to vector<1x512x768xf32>
      tpu.vector_store %arg7[%swap3A_276, %swap3A_277, %swap3A_278], %swap3A_281 {strides = array<i32>} : memref<4x512x768xf32, #tpu.memory_space<vmem>>, vector<1x512x768xf32>,
    } else {
    }
    %gt3A = arith.constant 0 : i32
    %gt3A_13 = arith.cmpi sgt, %arg0, %gt3A : i32
    %lt3A = arith.constant 7 : i32
    %lt3A_14 = arith.cmpi slt, %arg0, %lt3A : i32
    %and3A = arith.andi %gt3A_13, %lt3A_14 : i1
    %convert_element_type3A_15 = arith.extui %and3A : i1 to i32
    %cond3A_16 = arith.constant 0 : i32
    %cond3A_17 = arith.cmpi ne, %convert_element_type3A_15, %cond3A_16 : i32
    scf.if %cond3A_17 {
      %get3A_23 = arith.constant 0 : index
      %get3A_24 = arith.constant 0 : index
      %get3A_25 = vector.load %arg1[%get3A_23, %get3A_24] : memref<2048x8xf32, #tpu.memory_space<vmem>>, vector<512x8xf32>
      %dot_general3A = arith.constant dense<0.000000e+00> : vector<512x1xf32>
      %dot_general3A_26 = tpu.matmul %get3A_25, %convert_element_type3A_8, %dot_general3A {dimension_numbers = #tpu.dot_dimension_numbers<[1], [0], [0], [1], [0, 0, 1, 1], [], []>, transpose_lhs_hint = false} : vector<512x8xf32>, vector<8x1xf32>, vector<512x1xf32> -> vector<512x1xf32>
      %get3A_27 = arith.constant 0 : index
      %get3A_28 = arith.constant 0 : index
      %get3A_29 = arith.constant 0 : index
      %get3A_30 = vector.load %arg6[%get3A_27, %get3A_28, %get3A_29] : memref<4x512x768xbf16, #tpu.memory_space<vmem>>, vector<1x512x768xbf16>
      %get3A_31 = vector.shape_cast %get3A_30 : vector<1x512x768xbf16> to vector<512x768xbf16>
      %get3A_32 = arith.constant 0 : index
      %get3A_33 = arith.constant 0 : index
      %get3A_34 = vector.load %arg8[%get3A_32, %get3A_33] : memref<768x768xbf16, #tpu.memory_space<vmem>>, vector<768x768xbf16>
      %dot_general3A_35 = arith.constant dense<0.000000e+00> : vector<512x768xf32>
      %dot_general3A_36 = tpu.matmul %get3A_31, %get3A_34, %dot_general3A_35 {dimension_numbers = #tpu.dot_dimension_numbers<[1], [0], [0], [1], [0, 0, 1, 1], [], []>, transpose_lhs_hint = false} : vector<512x768xbf16>, vector<768x768xbf16>, vector<512x768xf32> -> vector<512x768xf32>
      %get3A_37 = arith.constant 0 : index
      %get3A_38 = arith.constant 0 : index
      %get3A_39 = arith.constant 0 : index
      %get3A_40 = vector.load %arg7[%get3A_37, %get3A_38, %get3A_39] : memref<4x512x768xf32, #tpu.memory_space<vmem>>, vector<1x512x768xf32>
      %get3A_41 = vector.shape_cast %get3A_40 : vector<1x512x768xf32> to vector<512x768xf32>
      %mul3A = vector.broadcast %dot_general3A_26 : vector<512x1xf32> to vector<512x768xf32>
      %mul3A_42 = arith.mulf %mul3A, %dot_general3A_36 : vector<512x768xf32>
      %add3A = arith.addf %get3A_41, %mul3A_42 : vector<512x768xf32>
      %swap3A_43 = arith.constant 0 : index
      %swap3A_44 = arith.constant 0 : index
      %swap3A_45 = arith.constant 0 : index
      %swap3A_46 = vector.load %arg7[%swap3A_43, %swap3A_44, %swap3A_45] : memref<4x512x768xf32, #tpu.memory_space<vmem>>, vector<1x512x768xf32>
      %swap3A_47 = vector.shape_cast %swap3A_46 : vector<1x512x768xf32> to vector<512x768xf32>
      %swap3A_48 = vector.shape_cast %add3A : vector<512x768xf32> to vector<1x512x768xf32>
      tpu.vector_store %arg7[%swap3A_43, %swap3A_44, %swap3A_45], %swap3A_48 {strides = array<i32>} : memref<4x512x768xf32, #tpu.memory_space<vmem>>, vector<1x512x768xf32>,
      %get3A_49 = arith.constant 512 : index
      %get3A_50 = arith.constant 0 : index
      %get3A_51 = vector.load %arg1[%get3A_49, %get3A_50] : memref<2048x8xf32, #tpu.memory_space<vmem>>, vector<512x8xf32>
      %dot_general3A_52 = arith.constant dense<0.000000e+00> : vector<512x1xf32>
      %dot_general3A_53 = tpu.matmul %get3A_51, %convert_element_type3A_8, %dot_general3A_52 {dimension_numbers = #tpu.dot_dimension_numbers<[1], [0], [0], [1], [0, 0, 1, 1], [], []>, transpose_lhs_hint = false} : vector<512x8xf32>, vector<8x1xf32>, vector<512x1xf32> -> vector<512x1xf32>
      %get3A_54 = arith.constant 1 : index
      %get3A_55 = arith.constant 0 : index
      %get3A_56 = arith.constant 0 : index
      %get3A_57 = vector.load %arg6[%get3A_54, %get3A_55, %get3A_56] : memref<4x512x768xbf16, #tpu.memory_space<vmem>>, vector<1x512x768xbf16>
      %get3A_58 = vector.shape_cast %get3A_57 : vector<1x512x768xbf16> to vector<512x768xbf16>
      %get3A_59 = arith.constant 0 : index
      %get3A_60 = arith.constant 0 : index
      %get3A_61 = vector.load %arg8[%get3A_59, %get3A_60] : memref<768x768xbf16, #tpu.memory_space<vmem>>, vector<768x768xbf16>
      %dot_general3A_62 = arith.constant dense<0.000000e+00> : vector<512x768xf32>
      %dot_general3A_63 = tpu.matmul %get3A_58, %get3A_61, %dot_general3A_62 {dimension_numbers = #tpu.dot_dimension_numbers<[1], [0], [0], [1], [0, 0, 1, 1], [], []>, transpose_lhs_hint = false} : vector<512x768xbf16>, vector<768x768xbf16>, vector<512x768xf32> -> vector<512x768xf32>
      %get3A_64 = arith.constant 1 : index
      %get3A_65 = arith.constant 0 : index
      %get3A_66 = arith.constant 0 : index
      %get3A_67 = vector.load %arg7[%get3A_64, %get3A_65, %get3A_66] : memref<4x512x768xf32, #tpu.memory_space<vmem>>, vector<1x512x768xf32>
      %get3A_68 = vector.shape_cast %get3A_67 : vector<1x512x768xf32> to vector<512x768xf32>
      %mul3A_69 = vector.broadcast %dot_general3A_53 : vector<512x1xf32> to vector<512x768xf32>
      %mul3A_70 = arith.mulf %mul3A_69, %dot_general3A_63 : vector<512x768xf32>
      %add3A_71 = arith.addf %get3A_68, %mul3A_70 : vector<512x768xf32>
      %swap3A_72 = arith.constant 1 : index
      %swap3A_73 = arith.constant 0 : index
      %swap3A_74 = arith.constant 0 : index
      %swap3A_75 = vector.load %arg7[%swap3A_72, %swap3A_73, %swap3A_74] : memref<4x512x768xf32, #tpu.memory_space<vmem>>, vector<1x512x768xf32>
      %swap3A_76 = vector.shape_cast %swap3A_75 : vector<1x512x768xf32> to vector<512x768xf32>
      %swap3A_77 = vector.shape_cast %add3A_71 : vector<512x768xf32> to vector<1x512x768xf32>
      tpu.vector_store %arg7[%swap3A_72, %swap3A_73, %swap3A_74], %swap3A_77 {strides = array<i32>} : memref<4x512x768xf32, #tpu.memory_space<vmem>>, vector<1x512x768xf32>,
      %get3A_78 = arith.constant 1024 : index
      %get3A_79 = arith.constant 0 : index
      %get3A_80 = vector.load %arg1[%get3A_78, %get3A_79] : memref<2048x8xf32, #tpu.memory_space<vmem>>, vector<512x8xf32>
      %dot_general3A_81 = arith.constant dense<0.000000e+00> : vector<512x1xf32>
      %dot_general3A_82 = tpu.matmul %get3A_80, %convert_element_type3A_8, %dot_general3A_81 {dimension_numbers = #tpu.dot_dimension_numbers<[1], [0], [0], [1], [0, 0, 1, 1], [], []>, transpose_lhs_hint = false} : vector<512x8xf32>, vector<8x1xf32>, vector<512x1xf32> -> vector<512x1xf32>
      %get3A_83 = arith.constant 2 : index
      %get3A_84 = arith.constant 0 : index
      %get3A_85 = arith.constant 0 : index
      %get3A_86 = vector.load %arg6[%get3A_83, %get3A_84, %get3A_85] : memref<4x512x768xbf16, #tpu.memory_space<vmem>>, vector<1x512x768xbf16>
      %get3A_87 = vector.shape_cast %get3A_86 : vector<1x512x768xbf16> to vector<512x768xbf16>
      %get3A_88 = arith.constant 0 : index
      %get3A_89 = arith.constant 0 : index
      %get3A_90 = vector.load %arg8[%get3A_88, %get3A_89] : memref<768x768xbf16, #tpu.memory_space<vmem>>, vector<768x768xbf16>
      %dot_general3A_91 = arith.constant dense<0.000000e+00> : vector<512x768xf32>
      %dot_general3A_92 = tpu.matmul %get3A_87, %get3A_90, %dot_general3A_91 {dimension_numbers = #tpu.dot_dimension_numbers<[1], [0], [0], [1], [0, 0, 1, 1], [], []>, transpose_lhs_hint = false} : vector<512x768xbf16>, vector<768x768xbf16>, vector<512x768xf32> -> vector<512x768xf32>
      %get3A_93 = arith.constant 2 : index
      %get3A_94 = arith.constant 0 : index
      %get3A_95 = arith.constant 0 : index
      %get3A_96 = vector.load %arg7[%get3A_93, %get3A_94, %get3A_95] : memref<4x512x768xf32, #tpu.memory_space<vmem>>, vector<1x512x768xf32>
      %get3A_97 = vector.shape_cast %get3A_96 : vector<1x512x768xf32> to vector<512x768xf32>
      %mul3A_98 = vector.broadcast %dot_general3A_82 : vector<512x1xf32> to vector<512x768xf32>
      %mul3A_99 = arith.mulf %mul3A_98, %dot_general3A_92 : vector<512x768xf32>
      %add3A_100 = arith.addf %get3A_97, %mul3A_99 : vector<512x768xf32>
      %swap3A_101 = arith.constant 2 : index
      %swap3A_102 = arith.constant 0 : index
      %swap3A_103 = arith.constant 0 : index
      %swap3A_104 = vector.load %arg7[%swap3A_101, %swap3A_102, %swap3A_103] : memref<4x512x768xf32, #tpu.memory_space<vmem>>, vector<1x512x768xf32>
      %swap3A_105 = vector.shape_cast %swap3A_104 : vector<1x512x768xf32> to vector<512x768xf32>
      %swap3A_106 = vector.shape_cast %add3A_100 : vector<512x768xf32> to vector<1x512x768xf32>
      tpu.vector_store %arg7[%swap3A_101, %swap3A_102, %swap3A_103], %swap3A_106 {strides = array<i32>} : memref<4x512x768xf32, #tpu.memory_space<vmem>>, vector<1x512x768xf32>,
      %get3A_107 = arith.constant 1536 : index
      %get3A_108 = arith.constant 0 : index
      %get3A_109 = vector.load %arg1[%get3A_107, %get3A_108] : memref<2048x8xf32, #tpu.memory_space<vmem>>, vector<512x8xf32>
      %dot_general3A_110 = arith.constant dense<0.000000e+00> : vector<512x1xf32>
      %dot_general3A_111 = tpu.matmul %get3A_109, %convert_element_type3A_8, %dot_general3A_110 {dimension_numbers = #tpu.dot_dimension_numbers<[1], [0], [0], [1], [0, 0, 1, 1], [], []>, transpose_lhs_hint = false} : vector<512x8xf32>, vector<8x1xf32>, vector<512x1xf32> -> vector<512x1xf32>
      %get3A_112 = arith.constant 3 : index
      %get3A_113 = arith.constant 0 : index
      %get3A_114 = arith.constant 0 : index
      %get3A_115 = vector.load %arg6[%get3A_112, %get3A_113, %get3A_114] : memref<4x512x768xbf16, #tpu.memory_space<vmem>>, vector<1x512x768xbf16>
      %get3A_116 = vector.shape_cast %get3A_115 : vector<1x512x768xbf16> to vector<512x768xbf16>
      %get3A_117 = arith.constant 0 : index
      %get3A_118 = arith.constant 0 : index
      %get3A_119 = vector.load %arg8[%get3A_117, %get3A_118] : memref<768x768xbf16, #tpu.memory_space<vmem>>, vector<768x768xbf16>
      %dot_general3A_120 = arith.constant dense<0.000000e+00> : vector<512x768xf32>
      %dot_general3A_121 = tpu.matmul %get3A_116, %get3A_119, %dot_general3A_120 {dimension_numbers = #tpu.dot_dimension_numbers<[1], [0], [0], [1], [0, 0, 1, 1], [], []>, transpose_lhs_hint = false} : vector<512x768xbf16>, vector<768x768xbf16>, vector<512x768xf32> -> vector<512x768xf32>
      %get3A_122 = arith.constant 3 : index
      %get3A_123 = arith.constant 0 : index
      %get3A_124 = arith.constant 0 : index
      %get3A_125 = vector.load %arg7[%get3A_122, %get3A_123, %get3A_124] : memref<4x512x768xf32, #tpu.memory_space<vmem>>, vector<1x512x768xf32>
      %get3A_126 = vector.shape_cast %get3A_125 : vector<1x512x768xf32> to vector<512x768xf32>
      %mul3A_127 = vector.broadcast %dot_general3A_111 : vector<512x1xf32> to vector<512x768xf32>
      %mul3A_128 = arith.mulf %mul3A_127, %dot_general3A_121 : vector<512x768xf32>
      %add3A_129 = arith.addf %get3A_126, %mul3A_128 : vector<512x768xf32>
      %swap3A_130 = arith.constant 3 : index
      %swap3A_131 = arith.constant 0 : index
      %swap3A_132 = arith.constant 0 : index
      %swap3A_133 = vector.load %arg7[%swap3A_130, %swap3A_131, %swap3A_132] : memref<4x512x768xf32, #tpu.memory_space<vmem>>, vector<1x512x768xf32>
      %swap3A_134 = vector.shape_cast %swap3A_133 : vector<1x512x768xf32> to vector<512x768xf32>
      %swap3A_135 = vector.shape_cast %add3A_129 : vector<512x768xf32> to vector<1x512x768xf32>
      tpu.vector_store %arg7[%swap3A_130, %swap3A_131, %swap3A_132], %swap3A_135 {strides = array<i32>} : memref<4x512x768xf32, #tpu.memory_space<vmem>>, vector<1x512x768xf32>,
    } else {
    }
    %eq3A_18 = arith.constant 7 : i32
    %eq3A_19 = arith.cmpi eq, %arg0, %eq3A_18 : i32
    %convert_element_type3A_20 = arith.extui %eq3A_19 : i1 to i32
    %cond3A_21 = arith.constant 0 : i32
    %cond3A_22 = arith.cmpi ne, %convert_element_type3A_20, %cond3A_21 : i32
    scf.if %cond3A_22 {
      %get3A_23 = arith.constant 0 : index
      %get3A_24 = arith.constant 0 : index
      %get3A_25 = vector.load %arg1[%get3A_23, %get3A_24] : memref<2048x8xf32, #tpu.memory_space<vmem>>, vector<512x8xf32>
      %dot_general3A = arith.constant dense<0.000000e+00> : vector<512x1xf32>
      %dot_general3A_26 = tpu.matmul %get3A_25, %convert_element_type3A_8, %dot_general3A {dimension_numbers = #tpu.dot_dimension_numbers<[1], [0], [0], [1], [0, 0, 1, 1], [], []>, transpose_lhs_hint = false} : vector<512x8xf32>, vector<8x1xf32>, vector<512x1xf32> -> vector<512x1xf32>
      %get3A_27 = arith.constant 0 : index
      %get3A_28 = arith.constant 0 : index
      %get3A_29 = arith.constant 0 : index
      %get3A_30 = vector.load %arg6[%get3A_27, %get3A_28, %get3A_29] : memref<4x512x768xbf16, #tpu.memory_space<vmem>>, vector<1x512x768xbf16>
      %get3A_31 = vector.shape_cast %get3A_30 : vector<1x512x768xbf16> to vector<512x768xbf16>
      %get3A_32 = arith.constant 0 : index
      %get3A_33 = arith.constant 0 : index
      %get3A_34 = vector.load %arg8[%get3A_32, %get3A_33] : memref<768x768xbf16, #tpu.memory_space<vmem>>, vector<768x768xbf16>
      %dot_general3A_35 = arith.constant dense<0.000000e+00> : vector<512x768xf32>
      %dot_general3A_36 = tpu.matmul %get3A_31, %get3A_34, %dot_general3A_35 {dimension_numbers = #tpu.dot_dimension_numbers<[1], [0], [0], [1], [0, 0, 1, 1], [], []>, transpose_lhs_hint = false} : vector<512x768xbf16>, vector<768x768xbf16>, vector<512x768xf32> -> vector<512x768xf32>
      %get3A_37 = arith.constant 0 : index
      %get3A_38 = arith.constant 0 : index
      %get3A_39 = arith.constant 0 : index
      %get3A_40 = vector.load %arg7[%get3A_37, %get3A_38, %get3A_39] : memref<4x512x768xf32, #tpu.memory_space<vmem>>, vector<1x512x768xf32>
      %get3A_41 = vector.shape_cast %get3A_40 : vector<1x512x768xf32> to vector<512x768xf32>
      %mul3A = vector.broadcast %dot_general3A_26 : vector<512x1xf32> to vector<512x768xf32>
      %mul3A_42 = arith.mulf %mul3A, %dot_general3A_36 : vector<512x768xf32>
      %add3A = arith.addf %get3A_41, %mul3A_42 : vector<512x768xf32>
      %swap3A_43 = arith.constant 0 : index
      %swap3A_44 = arith.constant 0 : index
      %swap3A_45 = arith.constant 0 : index
      %swap3A_46 = vector.load %arg7[%swap3A_43, %swap3A_44, %swap3A_45] : memref<4x512x768xf32, #tpu.memory_space<vmem>>, vector<1x512x768xf32>
      %swap3A_47 = vector.shape_cast %swap3A_46 : vector<1x512x768xf32> to vector<512x768xf32>
      %swap3A_48 = vector.shape_cast %add3A : vector<512x768xf32> to vector<1x512x768xf32>
      tpu.vector_store %arg7[%swap3A_43, %swap3A_44, %swap3A_45], %swap3A_48 {strides = array<i32>} : memref<4x512x768xf32, #tpu.memory_space<vmem>>, vector<1x512x768xf32>,
      %dma_start3A = arith.constant 0 : i32
      %dma_start3A_49 = arith.constant 0 : i32
      %dma_start3A_50 = tpu.memref_slice %arg11[%dma_start3A_49] : memref<4x!tpu.dma_semaphore, #tpu.memory_space<semaphore_mem>> -> memref<1x!tpu.dma_semaphore, #tpu.memory_space<semaphore_mem>>
      %dma_start3A_51 = tpu.memref_squeeze %dma_start3A_50 : memref<1x!tpu.dma_semaphore, #tpu.memory_space<semaphore_mem>> -> memref<!tpu.dma_semaphore, #tpu.memory_space<semaphore_mem>>
      %dma_start3A_52 = arith.constant 0 : i32
      %dma_start3A_53 = arith.constant 0 : i32
      %dma_start3A_54 = tpu.memref_slice %arg5[%dma_start3A_52, %dma_start3A_53] : memref<2048x768xf32, #tpu.memory_space<any>> -> memref<512x768xf32, #tpu.memory_space<any>>
      %dma_start3A_55 = arith.constant 0 : i32
      %dma_start3A_56 = arith.constant 0 : i32
      %dma_start3A_57 = tpu.memref_slice %arg7[%dma_start3A, %dma_start3A_55, %dma_start3A_56] : memref<4x512x768xf32, #tpu.memory_space<vmem>> -> memref<1x512x768xf32, #tpu.memory_space<vmem>>
      %dma_start3A_58 = tpu.memref_squeeze %dma_start3A_57 : memref<1x512x768xf32, #tpu.memory_space<vmem>> -> memref<512x768xf32, #tpu.memory_space<vmem>>
      tpu.enqueue_dma source(%dma_start3A_58 : memref<512x768xf32, #tpu.memory_space<vmem>>) target(%dma_start3A_54 : memref<512x768xf32, #tpu.memory_space<any>>) target_semaphore(%dma_start3A_51 : memref<!tpu.dma_semaphore, #tpu.memory_space<semaphore_mem>>)
      %get3A_59 = arith.constant 512 : index
      %get3A_60 = arith.constant 0 : index
      %get3A_61 = vector.load %arg1[%get3A_59, %get3A_60] : memref<2048x8xf32, #tpu.memory_space<vmem>>, vector<512x8xf32>
      %dot_general3A_62 = arith.constant dense<0.000000e+00> : vector<512x1xf32>
      %dot_general3A_63 = tpu.matmul %get3A_61, %convert_element_type3A_8, %dot_general3A_62 {dimension_numbers = #tpu.dot_dimension_numbers<[1], [0], [0], [1], [0, 0, 1, 1], [], []>, transpose_lhs_hint = false} : vector<512x8xf32>, vector<8x1xf32>, vector<512x1xf32> -> vector<512x1xf32>
      %get3A_64 = arith.constant 1 : index
      %get3A_65 = arith.constant 0 : index
      %get3A_66 = arith.constant 0 : index
      %get3A_67 = vector.load %arg6[%get3A_64, %get3A_65, %get3A_66] : memref<4x512x768xbf16, #tpu.memory_space<vmem>>, vector<1x512x768xbf16>
      %get3A_68 = vector.shape_cast %get3A_67 : vector<1x512x768xbf16> to vector<512x768xbf16>
      %get3A_69 = arith.constant 0 : index
      %get3A_70 = arith.constant 0 : index
      %get3A_71 = vector.load %arg8[%get3A_69, %get3A_70] : memref<768x768xbf16, #tpu.memory_space<vmem>>, vector<768x768xbf16>
      %dot_general3A_72 = arith.constant dense<0.000000e+00> : vector<512x768xf32>
      %dot_general3A_73 = tpu.matmul %get3A_68, %get3A_71, %dot_general3A_72 {dimension_numbers = #tpu.dot_dimension_numbers<[1], [0], [0], [1], [0, 0, 1, 1], [], []>, transpose_lhs_hint = false} : vector<512x768xbf16>, vector<768x768xbf16>, vector<512x768xf32> -> vector<512x768xf32>
      %get3A_74 = arith.constant 1 : index
      %get3A_75 = arith.constant 0 : index
      %get3A_76 = arith.constant 0 : index
      %get3A_77 = vector.load %arg7[%get3A_74, %get3A_75, %get3A_76] : memref<4x512x768xf32, #tpu.memory_space<vmem>>, vector<1x512x768xf32>
      %get3A_78 = vector.shape_cast %get3A_77 : vector<1x512x768xf32> to vector<512x768xf32>
      %mul3A_79 = vector.broadcast %dot_general3A_63 : vector<512x1xf32> to vector<512x768xf32>
      %mul3A_80 = arith.mulf %mul3A_79, %dot_general3A_73 : vector<512x768xf32>
      %add3A_81 = arith.addf %get3A_78, %mul3A_80 : vector<512x768xf32>
      %swap3A_82 = arith.constant 1 : index
      %swap3A_83 = arith.constant 0 : index
      %swap3A_84 = arith.constant 0 : index
      %swap3A_85 = vector.load %arg7[%swap3A_82, %swap3A_83, %swap3A_84] : memref<4x512x768xf32, #tpu.memory_space<vmem>>, vector<1x512x768xf32>
      %swap3A_86 = vector.shape_cast %swap3A_85 : vector<1x512x768xf32> to vector<512x768xf32>
      %swap3A_87 = vector.shape_cast %add3A_81 : vector<512x768xf32> to vector<1x512x768xf32>
      tpu.vector_store %arg7[%swap3A_82, %swap3A_83, %swap3A_84], %swap3A_87 {strides = array<i32>} : memref<4x512x768xf32, #tpu.memory_space<vmem>>, vector<1x512x768xf32>,
      %dma_start3A_88 = arith.constant 1 : i32
      %dma_start3A_89 = arith.constant 1 : i32
      %dma_start3A_90 = tpu.memref_slice %arg11[%dma_start3A_89] : memref<4x!tpu.dma_semaphore, #tpu.memory_space<semaphore_mem>> -> memref<1x!tpu.dma_semaphore, #tpu.memory_space<semaphore_mem>>
      %dma_start3A_91 = tpu.memref_squeeze %dma_start3A_90 : memref<1x!tpu.dma_semaphore, #tpu.memory_space<semaphore_mem>> -> memref<!tpu.dma_semaphore, #tpu.memory_space<semaphore_mem>>
      %dma_start3A_92 = arith.constant 512 : i32
      %dma_start3A_93 = arith.constant 0 : i32
      %dma_start3A_94 = tpu.memref_slice %arg5[%dma_start3A_92, %dma_start3A_93] : memref<2048x768xf32, #tpu.memory_space<any>> -> memref<512x768xf32, #tpu.memory_space<any>>
      %dma_start3A_95 = arith.constant 0 : i32
      %dma_start3A_96 = arith.constant 0 : i32
      %dma_start3A_97 = tpu.memref_slice %arg7[%dma_start3A_88, %dma_start3A_95, %dma_start3A_96] : memref<4x512x768xf32, #tpu.memory_space<vmem>> -> memref<1x512x768xf32, #tpu.memory_space<vmem>>
      %dma_start3A_98 = tpu.memref_squeeze %dma_start3A_97 : memref<1x512x768xf32, #tpu.memory_space<vmem>> -> memref<512x768xf32, #tpu.memory_space<vmem>>
      tpu.enqueue_dma source(%dma_start3A_98 : memref<512x768xf32, #tpu.memory_space<vmem>>) target(%dma_start3A_94 : memref<512x768xf32, #tpu.memory_space<any>>) target_semaphore(%dma_start3A_91 : memref<!tpu.dma_semaphore, #tpu.memory_space<semaphore_mem>>)
      %get3A_99 = arith.constant 1024 : index
      %get3A_100 = arith.constant 0 : index
      %get3A_101 = vector.load %arg1[%get3A_99, %get3A_100] : memref<2048x8xf32, #tpu.memory_space<vmem>>, vector<512x8xf32>
      %dot_general3A_102 = arith.constant dense<0.000000e+00> : vector<512x1xf32>
      %dot_general3A_103 = tpu.matmul %get3A_101, %convert_element_type3A_8, %dot_general3A_102 {dimension_numbers = #tpu.dot_dimension_numbers<[1], [0], [0], [1], [0, 0, 1, 1], [], []>, transpose_lhs_hint = false} : vector<512x8xf32>, vector<8x1xf32>, vector<512x1xf32> -> vector<512x1xf32>
      %get3A_104 = arith.constant 2 : index
      %get3A_105 = arith.constant 0 : index
      %get3A_106 = arith.constant 0 : index
      %get3A_107 = vector.load %arg6[%get3A_104, %get3A_105, %get3A_106] : memref<4x512x768xbf16, #tpu.memory_space<vmem>>, vector<1x512x768xbf16>
      %get3A_108 = vector.shape_cast %get3A_107 : vector<1x512x768xbf16> to vector<512x768xbf16>
      %get3A_109 = arith.constant 0 : index
      %get3A_110 = arith.constant 0 : index
      %get3A_111 = vector.load %arg8[%get3A_109, %get3A_110] : memref<768x768xbf16, #tpu.memory_space<vmem>>, vector<768x768xbf16>
      %dot_general3A_112 = arith.constant dense<0.000000e+00> : vector<512x768xf32>
      %dot_general3A_113 = tpu.matmul %get3A_108, %get3A_111, %dot_general3A_112 {dimension_numbers = #tpu.dot_dimension_numbers<[1], [0], [0], [1], [0, 0, 1, 1], [], []>, transpose_lhs_hint = false} : vector<512x768xbf16>, vector<768x768xbf16>, vector<512x768xf32> -> vector<512x768xf32>
      %get3A_114 = arith.constant 2 : index
      %get3A_115 = arith.constant 0 : index
      %get3A_116 = arith.constant 0 : index
      %get3A_117 = vector.load %arg7[%get3A_114, %get3A_115, %get3A_116] : memref<4x512x768xf32, #tpu.memory_space<vmem>>, vector<1x512x768xf32>
      %get3A_118 = vector.shape_cast %get3A_117 : vector<1x512x768xf32> to vector<512x768xf32>
      %mul3A_119 = vector.broadcast %dot_general3A_103 : vector<512x1xf32> to vector<512x768xf32>
      %mul3A_120 = arith.mulf %mul3A_119, %dot_general3A_113 : vector<512x768xf32>
      %add3A_121 = arith.addf %get3A_118, %mul3A_120 : vector<512x768xf32>
      %swap3A_122 = arith.constant 2 : index
      %swap3A_123 = arith.constant 0 : index
      %swap3A_124 = arith.constant 0 : index
      %swap3A_125 = vector.load %arg7[%swap3A_122, %swap3A_123, %swap3A_124] : memref<4x512x768xf32, #tpu.memory_space<vmem>>, vector<1x512x768xf32>
      %swap3A_126 = vector.shape_cast %swap3A_125 : vector<1x512x768xf32> to vector<512x768xf32>
      %swap3A_127 = vector.shape_cast %add3A_121 : vector<512x768xf32> to vector<1x512x768xf32>
      tpu.vector_store %arg7[%swap3A_122, %swap3A_123, %swap3A_124], %swap3A_127 {strides = array<i32>} : memref<4x512x768xf32, #tpu.memory_space<vmem>>, vector<1x512x768xf32>,
      %dma_start3A_128 = arith.constant 2 : i32
      %dma_start3A_129 = arith.constant 2 : i32
      %dma_start3A_130 = tpu.memref_slice %arg11[%dma_start3A_129] : memref<4x!tpu.dma_semaphore, #tpu.memory_space<semaphore_mem>> -> memref<1x!tpu.dma_semaphore, #tpu.memory_space<semaphore_mem>>
      %dma_start3A_131 = tpu.memref_squeeze %dma_start3A_130 : memref<1x!tpu.dma_semaphore, #tpu.memory_space<semaphore_mem>> -> memref<!tpu.dma_semaphore, #tpu.memory_space<semaphore_mem>>
      %dma_start3A_132 = arith.constant 1024 : i32
      %dma_start3A_133 = arith.constant 0 : i32
      %dma_start3A_134 = tpu.memref_slice %arg5[%dma_start3A_132, %dma_start3A_133] : memref<2048x768xf32, #tpu.memory_space<any>> -> memref<512x768xf32, #tpu.memory_space<any>>
      %dma_start3A_135 = arith.constant 0 : i32
      %dma_start3A_136 = arith.constant 0 : i32
      %dma_start3A_137 = tpu.memref_slice %arg7[%dma_start3A_128, %dma_start3A_135, %dma_start3A_136] : memref<4x512x768xf32, #tpu.memory_space<vmem>> -> memref<1x512x768xf32, #tpu.memory_space<vmem>>
      %dma_start3A_138 = tpu.memref_squeeze %dma_start3A_137 : memref<1x512x768xf32, #tpu.memory_space<vmem>> -> memref<512x768xf32, #tpu.memory_space<vmem>>
      tpu.enqueue_dma source(%dma_start3A_138 : memref<512x768xf32, #tpu.memory_space<vmem>>) target(%dma_start3A_134 : memref<512x768xf32, #tpu.memory_space<any>>) target_semaphore(%dma_start3A_131 : memref<!tpu.dma_semaphore, #tpu.memory_space<semaphore_mem>>)
      %get3A_139 = arith.constant 1536 : index
      %get3A_140 = arith.constant 0 : index
      %get3A_141 = vector.load %arg1[%get3A_139, %get3A_140] : memref<2048x8xf32, #tpu.memory_space<vmem>>, vector<512x8xf32>
      %dot_general3A_142 = arith.constant dense<0.000000e+00> : vector<512x1xf32>
      %dot_general3A_143 = tpu.matmul %get3A_141, %convert_element_type3A_8, %dot_general3A_142 {dimension_numbers = #tpu.dot_dimension_numbers<[1], [0], [0], [1], [0, 0, 1, 1], [], []>, transpose_lhs_hint = false} : vector<512x8xf32>, vector<8x1xf32>, vector<512x1xf32> -> vector<512x1xf32>
      %get3A_144 = arith.constant 3 : index
      %get3A_145 = arith.constant 0 : index
      %get3A_146 = arith.constant 0 : index
      %get3A_147 = vector.load %arg6[%get3A_144, %get3A_145, %get3A_146] : memref<4x512x768xbf16, #tpu.memory_space<vmem>>, vector<1x512x768xbf16>
      %get3A_148 = vector.shape_cast %get3A_147 : vector<1x512x768xbf16> to vector<512x768xbf16>
      %get3A_149 = arith.constant 0 : index
      %get3A_150 = arith.constant 0 : index
      %get3A_151 = vector.load %arg8[%get3A_149, %get3A_150] : memref<768x768xbf16, #tpu.memory_space<vmem>>, vector<768x768xbf16>
      %dot_general3A_152 = arith.constant dense<0.000000e+00> : vector<512x768xf32>
      %dot_general3A_153 = tpu.matmul %get3A_148, %get3A_151, %dot_general3A_152 {dimension_numbers = #tpu.dot_dimension_numbers<[1], [0], [0], [1], [0, 0, 1, 1], [], []>, transpose_lhs_hint = false} : vector<512x768xbf16>, vector<768x768xbf16>, vector<512x768xf32> -> vector<512x768xf32>
      %get3A_154 = arith.constant 3 : index
      %get3A_155 = arith.constant 0 : index
      %get3A_156 = arith.constant 0 : index
      %get3A_157 = vector.load %arg7[%get3A_154, %get3A_155, %get3A_156] : memref<4x512x768xf32, #tpu.memory_space<vmem>>, vector<1x512x768xf32>
      %get3A_158 = vector.shape_cast %get3A_157 : vector<1x512x768xf32> to vector<512x768xf32>
      %mul3A_159 = vector.broadcast %dot_general3A_143 : vector<512x1xf32> to vector<512x768xf32>
      %mul3A_160 = arith.mulf %mul3A_159, %dot_general3A_153 : vector<512x768xf32>
      %add3A_161 = arith.addf %get3A_158, %mul3A_160 : vector<512x768xf32>
      %swap3A_162 = arith.constant 3 : index
      %swap3A_163 = arith.constant 0 : index
      %swap3A_164 = arith.constant 0 : index
      %swap3A_165 = vector.load %arg7[%swap3A_162, %swap3A_163, %swap3A_164] : memref<4x512x768xf32, #tpu.memory_space<vmem>>, vector<1x512x768xf32>
      %swap3A_166 = vector.shape_cast %swap3A_165 : vector<1x512x768xf32> to vector<512x768xf32>
      %swap3A_167 = vector.shape_cast %add3A_161 : vector<512x768xf32> to vector<1x512x768xf32>
      tpu.vector_store %arg7[%swap3A_162, %swap3A_163, %swap3A_164], %swap3A_167 {strides = array<i32>} : memref<4x512x768xf32, #tpu.memory_space<vmem>>, vector<1x512x768xf32>,
      %dma_start3A_168 = arith.constant 3 : i32
      %dma_start3A_169 = arith.constant 3 : i32
      %dma_start3A_170 = tpu.memref_slice %arg11[%dma_start3A_169] : memref<4x!tpu.dma_semaphore, #tpu.memory_space<semaphore_mem>> -> memref<1x!tpu.dma_semaphore, #tpu.memory_space<semaphore_mem>>
      %dma_start3A_171 = tpu.memref_squeeze %dma_start3A_170 : memref<1x!tpu.dma_semaphore, #tpu.memory_space<semaphore_mem>> -> memref<!tpu.dma_semaphore, #tpu.memory_space<semaphore_mem>>
      %dma_start3A_172 = arith.constant 1536 : i32
      %dma_start3A_173 = arith.constant 0 : i32
      %dma_start3A_174 = tpu.memref_slice %arg5[%dma_start3A_172, %dma_start3A_173] : memref<2048x768xf32, #tpu.memory_space<any>> -> memref<512x768xf32, #tpu.memory_space<any>>
      %dma_start3A_175 = arith.constant 0 : i32
      %dma_start3A_176 = arith.constant 0 : i32
      %dma_start3A_177 = tpu.memref_slice %arg7[%dma_start3A_168, %dma_start3A_175, %dma_start3A_176] : memref<4x512x768xf32, #tpu.memory_space<vmem>> -> memref<1x512x768xf32, #tpu.memory_space<vmem>>
      %dma_start3A_178 = tpu.memref_squeeze %dma_start3A_177 : memref<1x512x768xf32, #tpu.memory_space<vmem>> -> memref<512x768xf32, #tpu.memory_space<vmem>>
      tpu.enqueue_dma source(%dma_start3A_178 : memref<512x768xf32, #tpu.memory_space<vmem>>) target(%dma_start3A_174 : memref<512x768xf32, #tpu.memory_space<any>>) target_semaphore(%dma_start3A_171 : memref<!tpu.dma_semaphore, #tpu.memory_space<semaphore_mem>>)
      %dma_wait3A = arith.constant 0 : i32
      %dma_wait3A_179 = arith.constant 0 : i32
      %dma_wait3A_180 = tpu.memref_slice %arg11[%dma_wait3A_179] : memref<4x!tpu.dma_semaphore, #tpu.memory_space<semaphore_mem>> -> memref<1x!tpu.dma_semaphore, #tpu.memory_space<semaphore_mem>>
      %dma_wait3A_181 = tpu.memref_squeeze %dma_wait3A_180 : memref<1x!tpu.dma_semaphore, #tpu.memory_space<semaphore_mem>> -> memref<!tpu.dma_semaphore, #tpu.memory_space<semaphore_mem>>
      %dma_wait3A_182 = arith.constant 0 : i32
      %dma_wait3A_183 = arith.constant 0 : i32
      %dma_wait3A_184 = tpu.memref_slice %arg5[%dma_wait3A_182, %dma_wait3A_183] : memref<2048x768xf32, #tpu.memory_space<any>> -> memref<512x768xf32, #tpu.memory_space<any>>
      %dma_wait3A_185 = arith.constant 0 : i32
      %dma_wait3A_186 = arith.constant 0 : i32
      %dma_wait3A_187 = tpu.memref_slice %arg7[%dma_wait3A, %dma_wait3A_185, %dma_wait3A_186] : memref<4x512x768xf32, #tpu.memory_space<vmem>> -> memref<1x512x768xf32, #tpu.memory_space<vmem>>
      %dma_wait3A_188 = tpu.memref_squeeze %dma_wait3A_187 : memref<1x512x768xf32, #tpu.memory_space<vmem>> -> memref<512x768xf32, #tpu.memory_space<vmem>>
      tpu.wait_dma2 semaphore(%dma_wait3A_181 : memref<!tpu.dma_semaphore, #tpu.memory_space<semaphore_mem>>) src(%dma_wait3A_188 : memref<512x768xf32, #tpu.memory_space<vmem>>) dst(%dma_wait3A_184 : memref<512x768xf32, #tpu.memory_space<any>>)
      %dma_wait3A_189 = arith.constant 1 : i32
      %dma_wait3A_190 = arith.constant 1 : i32
      %dma_wait3A_191 = tpu.memref_slice %arg11[%dma_wait3A_190] : memref<4x!tpu.dma_semaphore, #tpu.memory_space<semaphore_mem>> -> memref<1x!tpu.dma_semaphore, #tpu.memory_space<semaphore_mem>>
      %dma_wait3A_192 = tpu.memref_squeeze %dma_wait3A_191 : memref<1x!tpu.dma_semaphore, #tpu.memory_space<semaphore_mem>> -> memref<!tpu.dma_semaphore, #tpu.memory_space<semaphore_mem>>
      %dma_wait3A_193 = arith.constant 512 : i32
      %dma_wait3A_194 = arith.constant 0 : i32
      %dma_wait3A_195 = tpu.memref_slice %arg5[%dma_wait3A_193, %dma_wait3A_194] : memref<2048x768xf32, #tpu.memory_space<any>> -> memref<512x768xf32, #tpu.memory_space<any>>
      %dma_wait3A_196 = arith.constant 0 : i32
      %dma_wait3A_197 = arith.constant 0 : i32
      %dma_wait3A_198 = tpu.memref_slice %arg7[%dma_wait3A_189, %dma_wait3A_196, %dma_wait3A_197] : memref<4x512x768xf32, #tpu.memory_space<vmem>> -> memref<1x512x768xf32, #tpu.memory_space<vmem>>
      %dma_wait3A_199 = tpu.memref_squeeze %dma_wait3A_198 : memref<1x512x768xf32, #tpu.memory_space<vmem>> -> memref<512x768xf32, #tpu.memory_space<vmem>>
      tpu.wait_dma2 semaphore(%dma_wait3A_192 : memref<!tpu.dma_semaphore, #tpu.memory_space<semaphore_mem>>) src(%dma_wait3A_199 : memref<512x768xf32, #tpu.memory_space<vmem>>) dst(%dma_wait3A_195 : memref<512x768xf32, #tpu.memory_space<any>>)
      %dma_wait3A_200 = arith.constant 2 : i32
      %dma_wait3A_201 = arith.constant 2 : i32
      %dma_wait3A_202 = tpu.memref_slice %arg11[%dma_wait3A_201] : memref<4x!tpu.dma_semaphore, #tpu.memory_space<semaphore_mem>> -> memref<1x!tpu.dma_semaphore, #tpu.memory_space<semaphore_mem>>
      %dma_wait3A_203 = tpu.memref_squeeze %dma_wait3A_202 : memref<1x!tpu.dma_semaphore, #tpu.memory_space<semaphore_mem>> -> memref<!tpu.dma_semaphore, #tpu.memory_space<semaphore_mem>>
      %dma_wait3A_204 = arith.constant 1024 : i32
      %dma_wait3A_205 = arith.constant 0 : i32
      %dma_wait3A_206 = tpu.memref_slice %arg5[%dma_wait3A_204, %dma_wait3A_205] : memref<2048x768xf32, #tpu.memory_space<any>> -> memref<512x768xf32, #tpu.memory_space<any>>
      %dma_wait3A_207 = arith.constant 0 : i32
      %dma_wait3A_208 = arith.constant 0 : i32
      %dma_wait3A_209 = tpu.memref_slice %arg7[%dma_wait3A_200, %dma_wait3A_207, %dma_wait3A_208] : memref<4x512x768xf32, #tpu.memory_space<vmem>> -> memref<1x512x768xf32, #tpu.memory_space<vmem>>
      %dma_wait3A_210 = tpu.memref_squeeze %dma_wait3A_209 : memref<1x512x768xf32, #tpu.memory_space<vmem>> -> memref<512x768xf32, #tpu.memory_space<vmem>>
      tpu.wait_dma2 semaphore(%dma_wait3A_203 : memref<!tpu.dma_semaphore, #tpu.memory_space<semaphore_mem>>) src(%dma_wait3A_210 : memref<512x768xf32, #tpu.memory_space<vmem>>) dst(%dma_wait3A_206 : memref<512x768xf32, #tpu.memory_space<any>>)
      %dma_wait3A_211 = arith.constant 3 : i32
      %dma_wait3A_212 = arith.constant 3 : i32
      %dma_wait3A_213 = tpu.memref_slice %arg11[%dma_wait3A_212] : memref<4x!tpu.dma_semaphore, #tpu.memory_space<semaphore_mem>> -> memref<1x!tpu.dma_semaphore, #tpu.memory_space<semaphore_mem>>
      %dma_wait3A_214 = tpu.memref_squeeze %dma_wait3A_213 : memref<1x!tpu.dma_semaphore, #tpu.memory_space<semaphore_mem>> -> memref<!tpu.dma_semaphore, #tpu.memory_space<semaphore_mem>>
      %dma_wait3A_215 = arith.constant 1536 : i32
      %dma_wait3A_216 = arith.constant 0 : i32
      %dma_wait3A_217 = tpu.memref_slice %arg5[%dma_wait3A_215, %dma_wait3A_216] : memref<2048x768xf32, #tpu.memory_space<any>> -> memref<512x768xf32, #tpu.memory_space<any>>
      %dma_wait3A_218 = arith.constant 0 : i32
      %dma_wait3A_219 = arith.constant 0 : i32
      %dma_wait3A_220 = tpu.memref_slice %arg7[%dma_wait3A_211, %dma_wait3A_218, %dma_wait3A_219] : memref<4x512x768xf32, #tpu.memory_space<vmem>> -> memref<1x512x768xf32, #tpu.memory_space<vmem>>
      %dma_wait3A_221 = tpu.memref_squeeze %dma_wait3A_220 : memref<1x512x768xf32, #tpu.memory_space<vmem>> -> memref<512x768xf32, #tpu.memory_space<vmem>>
      tpu.wait_dma2 semaphore(%dma_wait3A_214 : memref<!tpu.dma_semaphore, #tpu.memory_space<semaphore_mem>>) src(%dma_wait3A_221 : memref<512x768xf32, #tpu.memory_space<vmem>>) dst(%dma_wait3A_217 : memref<512x768xf32, #tpu.memory_space<any>>)
    } else {
    }
    return
  }
  func.func @transform_0(%arg0: i32) -> (i32, i32) {
    %c0_i32 = arith.constant 0 : i32
    %c0_i32_0 = arith.constant 0 : i32
    %c0_i32_1 = arith.constant 0 : i32
    return %c0_i32, %c0_i32_0 : i32, i32
  }
  func.func @transform_2(%arg0: i32) -> (i32, i32, i32) {
    %c0_i32 = arith.constant 0 : i32
    %c0_i32_0 = arith.constant 0 : i32
    %c0_i32_1 = arith.constant 0 : i32
    return %arg0, %c0_i32, %c0_i32_0 : i32, i32, i32
  }
  func.func @transform_3(%arg0: i32) -> (i32, i32) {
    %c0_i32 = arith.constant 0 : i32
    %c0_i32_0 = arith.constant 0 : i32
    %c0_i32_1 = arith.constant 0 : i32
    return %c0_i32, %c0_i32_0 : i32, i32
  }
}

</mosaic_0001>

<sc_bundles>
// kernel: kernel.4.cloned.1.call-start
scs
__scs_entry_jumppad:
0x0: {  	(pc) =	sbr.rel $0x88, $3  }
0x1: {  	(tag) =	ssettag $0x0;
	lr =	simm.s32 $0x1  }
0x2: {  	[smem:$0x3F9C] =	sst lr;
	_ =	strace $0xD0000000  }
0x3: {  	_ = 	snop  }
0x4: {  	_ = 	snop  }
0x5: {  	_ = 	snop  }
0x6: {  	_ = 	snop  }
0x7: {  	_ = 	snop  }
__scs_overlays_trampoline_lowered:
0x8: {  	[smem:$0x3FAB] =	sst s0  }
0x9: {  	[smem:$0x3FAC] =	sst s1  }
0xa: {  	[smem:$0x3FAD] =	sst s2  }
0xb: {  	[smem:$0x3FAE] =	sst s3  }
0xc: {  	[smem:$0x3FAF] =	sst s4  }
0xd: {  	[smem:$0x3FB0] =	sst s5  }
0xe: {  	[smem:$0x3FB1] =	sst s6  }
0xf: {  	[smem:$0x3FB2] =	sst s7  }
0x10: {  	[smem:$0x3FB3] =	sst s8  }
0x11: {  	[smem:$0x3FB4] =	sst s9;
	s0 =	simm.s32 @!p0 $0x0  }
0x12: {  	s1 =	sld [smem:$0x3F9A];
	s0 =	simm.s32 @p0 $0x1  }
0x13: {  	[smem:$0x3FB5] =	sst s0;
	s0 =	simm.s32 @!p1 $0x0  }
0x14: {  	s2 =	sld [smem:$0x3F99];
	s0 =	simm.s32 @p1 $0x1  }
0x15: {  	[smem:$0x3FB6] =	sst s0;
	s0 =	simm.s32 @!p2 $0x0  }
0x16: {  	s3 =	sld [smem:$0x3FDB];
	s0 =	simm.s32 @p2 $0x1  }
0x17: {  	s4 =	simm.s32 $0x1BF5;
	[smem:$0x3FB8] =	sst s0  }
0x18: {  	s0 =	sld [smem:$0x3F9B];
	_ =	swait.ge [sflag:s4], $0x0  }
0x19: {  	s7 =	sld [smem:$0x3F9C]  }
0x1a: {  	s8 =	sadd.s32 $0xFFFFE003, lr  }
0x1b: {  	s9 =	sadd.s32 $0xFFFFFEF7, lr;
	s5 =	simm.s32 $0xFFFFFFFF;
	p2 =	slt.u32 s8, $0xFFFFF086  }
0x1c: {  	p1 =	slt.u32 s9, $0xF7A;
	s5 =	simm.s32 @!p2 $0x0  }
0x1d: {  	s5 =	simm.s32 @p1 $0x1;
	p0 =	seq.s32 s7, s2  }
0x1e: {  	s7 =	smul.u32 @!p0 $0xF7A, s2;
	p2 =	seq.s32 @!p0 s5, $0x0  }
0x1f: {  	s9 =	smul.u32 $0xF7A, s1;
	s8 =	simm.s32 @!p0 $0x1BF5;
	p2 =	por !p2, p0  }
0x20: {  	[sflag:s8] =	ssyncset.s32 @!p0 $0xFFFFF086;
	s6 =	sadd.s32 @!p0 s3, s7;
	s7 =	simm.s32 @!p0 $0x108  }
0x21: {  	s3 =	sadd.s32 s3, s9;
	s6 =	sadd.s32 @!p0 $0x88, s6;
	s7 =	simm.s32 @p2 $0x1082  }
0x22: {  	[simem:s7], [sflag:s8] =	dma.local @!p0 [hbm:s6], $0xF7A  }
0x23: {  	s9 =	sor.u32 $0xD0000000, s2;
	s6 =	simm.s32 $0x108;
	_ =	swait.ge @!p0 [sflag:s8], $0x0  }
0x24: {  	s3 =	sadd.s32 $0x88, s3;
	s6 =	simm.s32 @!p1 $0x1082;
	[sflag:s4] =	ssyncset.s32 $0xFFFFF086  }
0x25: {  	[simem:s6], [sflag:s4] =	dma.local [hbm:s3], $0xF7A  }
0x26: {  	[smem:$0x3F9C] =	sst s1;
	(tag) =	ssettag s2;
	_ =	strace s9  }
0x27: {  	s1 =	sld [smem:$0x3FAC]  }
0x28: {  	s2 =	sld [smem:$0x3FAD]  }
0x29: {  	s4 =	sld [smem:$0x3FAF]  }
0x2a: {  	p0 =	seq.s32 s5, $0x0;
	s5 =	sld [smem:$0x3FB0]  }
0x2b: {  	s6 =	sld [smem:$0x3FB1]  }
0x2c: {  	s7 =	sld [smem:$0x3FB2]  }
0x2d: {  	s3 =	simm.s32 $0x108;
	s8 =	sld [smem:$0x3FB3]  }
0x2e: {  	s3 =	simm.s32 @!p0 $0x1082;
	s9 =	sld [smem:$0x3FB4]  }
0x2f: {  	lr =	sadd.s32 s0, s3;
	s0 =	sld [smem:$0x3FAB]  }
0x30: {  	s3 =	sld [smem:$0x3FAE]  }
0x31: {  	[smem:$0x3FB7] =	sst s10  }
0x32: {  	s10 =	sld [smem:$0x3FB5];
	_ =	sdelay $0x3  }
0x33: {  	p0 =	seq.s32 s10, $0x1;
	s10 =	sld [smem:$0x3FB7];
	_ =	sdelay $0x3  }
0x34: {  	[smem:$0x3FB7] =	sst s10  }
0x35: {  	s10 =	sld [smem:$0x3FB6];
	_ =	sdelay $0x3  }
0x36: {  	p1 =	seq.s32 s10, $0x1;
	s10 =	sld [smem:$0x3FB7];
	_ =	sdelay $0x3  }
0x37: {  	[smem:$0x3FB7] =	sst s10  }
0x38: {  	s10 =	sld [smem:$0x3FB8]  }
0x39: {  	_ = 	snop;
	(pc) =	sbr.ind lr, $3  }
0x3a: {  	_ = 	snop  }
0x3b: {  	_ = 	snop  }
0x3c: {  	p2 =	seq.s32 s10, $0x1;
	s10 =	sld [smem:$0x3FB7]  }
0x3d: {  	_ =	shalt  }
0x3e: {  	_ =	shalt  }
0x3f: {  	_ =	shalt  }
0x40: {  	_ =	shalt  }
0x41: {  	_ =	shalt  }
0x42: {  	_ =	shalt  }
0x43: {  	_ =	shalt  }
0x44: {  	_ =	shalt  }
0x45: {  	_ =	shalt  }
0x46: {  	_ =	shalt  }
0x47: {  	_ =	shalt  }
0x48: {  	_ =	shalt  }
0x49: {  	_ =	shalt  }
0x4a: {  	_ =	shalt  }
0x4b: {  	_ =	shalt  }
0x4c: {  	_ =	shalt  }
0x4d: {  	_ =	shalt  }
0x4e: {  	_ =	shalt  }
0x4f: {  	_ =	shalt  }
0x50: {  	_ =	shalt  }
0x51: {  	_ =	shalt  }
0x52: {  	_ =	shalt  }
0x53: {  	_ =	shalt  }
0x54: {  	_ =	shalt  }
0x55: {  	_ =	shalt  }
0x56: {  	_ =	shalt  }
0x57: {  	_ =	shalt  }
0x58: {  	_ =	shalt  }
0x59: {  	_ =	shalt  }
0x5a: {  	_ =	shalt  }
0x5b: {  	_ =	shalt  }
0x5c: {  	_ =	shalt  }
0x5d: {  	_ =	shalt  }
0x5e: {  	_ =	shalt  }
0x5f: {  	_ =	shalt  }
0x60: {  	_ =	shalt  }
0x61: {  	_ =	shalt  }
0x62: {  	_ =	shalt  }
0x63: {  	_ =	shalt  }
0x64: {  	_ =	shalt  }
0x65: {  	_ =	shalt  }
0x66: {  	_ =	shalt  }
0x67: {  	_ =	shalt  }
0x68: {  	_ =	shalt  }
0x69: {  	_ =	shalt  }
0x6a: {  	_ =	shalt  }
0x6b: {  	_ =	shalt  }
0x6c: {  	_ =	shalt  }
0x6d: {  	_ =	shalt  }
0x6e: {  	_ =	shalt  }
0x6f: {  	_ =	shalt  }
0x70: {  	_ =	shalt  }
0x71: {  	_ =	shalt  }
0x72: {  	_ =	shalt  }
0x73: {  	_ =	shalt  }
0x74: {  	_ =	shalt  }
0x75: {  	_ =	shalt  }
0x76: {  	_ =	shalt  }
0x77: {  	_ =	shalt  }
0x78: {  	_ =	shalt  }
0x79: {  	_ =	shalt  }
0x7a: {  	_ =	shalt  }
0x7b: {  	_ =	shalt  }
0x7c: {  	_ =	shalt  }
0x7d: {  	_ =	shalt  }
0x7e: {  	_ =	shalt  }
0x7f: {  	_ =	shalt  }
0x80: {  	_ =	shalt  }
0x81: {  	_ =	shalt  }
0x82: {  	_ =	shalt  }
0x83: {  	_ =	shalt  }
0x84: {  	_ =	shalt  }
0x85: {  	_ =	shalt  }
0x86: {  	_ =	shalt  }
0x87: {  	_ =	shalt  }
.Lfunc_end0:
.L_simem_size_0:
called_computation_lowered:
.L_overlay_start_0:
0x88: {  	s2 =	sld [smem:$0x3FD9]  }
0x89: {  	s3 =	sld [smem:$0x3FFE];
	_ =	sdelay $0x1  }
0x8a: {  	s1 =	srdreg.scid  }
0x8b: {  	s0 =	sand.u32 $0x1, s1  }
0x8c: {  	s17 =	sshll.u32 s0, $0xA;
	s2 =	sadd.s32 s3, s2  }
0x8d: {  	s2 =	sadd.s32 s2, s17  }
0x8e: {  	[smem:$0x3FC3] =	sst s2  }
0x8f: {  	_ = 	snop  }
0x90: {  	s2 =	sld [smem:$0x3FD0];
	(tm) =	ssettm $0x1  }
0x91: {  	s18 =	sld [smem:$0x3FFB];
	_ =	sdelay $0x3  }
0x92: {  	_ =	strace s18  }
0x93: {  	s3 =	sld [smem:$0x3FFC];
	_ =	sdelay $0x3  }
0x94: {  	_ =	strace s3  }
0x95: {  	s3 =	sld [smem:$0x3FFD];
	_ =	sdelay $0x3  }
0x96: {  	_ =	strace s3  }
0x97: {  	_ =	strace $0x8FFFFFFF  }
0x98: {  	s19 =	sld [smem:$0x3FDB];
	_ =	sdelay $0x1  }
0x99: {  	s4 =	simm.s32 $_scs_section_size  }
0x9a: {  	s5 =	simm.s32 $_size__tile_overlayer_lowered;
	s6 =	simm.s32 $_tile_overlayer_lowered  }
0x9b: {  	s22 =	simm.s32 $0x1BFF;
	s21 =	sshll.u32 s6, $0x1;
	s3 =	sadd.s32 s4, s19  }
0x9c: {  	s7 =	simm.s32 $0x0;
	s20 =	sshll.u32 s5, $0x1;
	s5 =	sadd.s32 s21, s3  }
0x9d: {  	[timem:s7], [sflag:s22] =	dma.local [hbm:s5], s20  }
0x9e: {  	_ =	swait.ge [sflag:s22], s20  }
0x9f: {  	s4 =	ssub.s32 $0x0, s20;
	[sflag:s22] =	ssyncset.done $0x0  }
0xa0: {  	[sflag:s22] =	ssyncadd.s32 s4;
	_ =	sdelay $0x1  }
0xa1: {  	s23 =	simm.s32 $0x1B8B  }
0xa2: {  	_ =	swait.ge [sflag:s23], $0x1  }
0xa3: {  	[sflag:s23] =	ssyncset.done $0x0  }
0xa4: {  	s25 =	simm.s32 $0x1B8E;
	s24 =	sld [smem:$0x3FFE];
	[sflag:s23] =	ssyncadd.s32 $0xFFFFFFFF  }
0xa5: {  	s26 =	simm.s32 $execute0_lowered;
	[smem:$0x3FD2] =	sst s25  }
0xa6: {  	s5 =	sshll.u32 s26, $0x1;
	_ =	strace $0x80000046;
	[dreg:$0x1] =	wrdreg $0xFFFFFFFF  }
0xa7: {  	s28 =	simm.s32 $_size_execute0_lowered;
	s3 =	sadd.s32 s3, s5;
	[dreg:$0x0] =	wrdreg $0x0  }
0xa8: {  	s5 =	sshll.u32 s28, $0x1;
	[dreg:$0x2] =	wrdreg s3  }
0xa9: {  	[dreg:$0x3] =	wrdreg s5  }
0xaa: {  	[dreg:$0x4] =	wrdreg $0xC0  }
0xab: {  	_ =	task [dreg:s7], $0x5FFFF  }
0xac: {  	[dreg:$0x1] =	wrdreg $0xFFFFFFFF  }
0xad: {  	[dreg:$0x0] =	wrdreg $0x60  }
0xae: {  	[dreg:$0x2] =	wrdreg s24  }
0xaf: {  	[dreg:$0x3] =	wrdreg s2  }
0xb0: {  	[dreg:$0x4] =	wrdreg $0x9  }
0xb1: {  	_ =	task.clear_ibuf [dreg:s7], $0x5FFFF;
	_ =	strace $0x90000046  }
0xb2: {  	s29 =	simm.s32 $0x9;
	_ =	strace $0x80000048  }
0xb3: {  	_ =	swait.ge [sflag:s29], $0x1  }
0xb4: {  	[sflag:s29] =	ssyncadd.s32 $0xFFFFFFFF  }
0xb5: {  	_ =	strace $0x90000048  }
0xb6: {  	_ =	sfence  }
0xb7: {  	s30 =	sld [smem:$0x0];
	_ =	sdelay $0x2  }
0xb8: {  	s31 =	sshll.u32 s1, $0xD;
	s1 =	sshrl.u32 s1, $0x2  }
0xb9: {  	s3 =	sand.u32 $0x4000, s31;
	s1 =	sadd.s32 s1, s30  }
0xba: {  	s0 =	sor.u32 s3, s0;
	s1 =	sshll.u32 s1, $0x11  }
0xbb: {  	s0 =	sor.u32 s1, s0  }
0xbc: {  	s0 =	sadd.s32 $0x8F2B, s0  }
0xbd: {  	[sflag:s0] =	ssyncadd.remote.s32 $0x1  }
0xbe: {  	_ =	sfence.sel $0xFFFF  }
0xbf: {  	[dreg:$0x0] =	wrdreg $0xFFFFFFFF;
	(pc) =	sbr.abs _section_cstart, $3  }
0xc0: {  	[dreg:$0x1] =	wrdreg $0xFFFFFFFF  }
0xc1: {  	_ =	task.clear_ibuf [dreg:s7], $0x2FFFF;
	_ =	strace $0x9FFFFFFF  }
0xc2: {  	(tm) =	ssettm $0x7FFFFFFF  }
0xc3: {  	_ =	shalt  }
tec
execute0_lowered:
.L_overlay_start_1:
0x0: {  	(tag) =	ssettag $0x1  }
0x1: {  	vm0 =	vcmask $0xB08;
	vm1 =	vcmask $0x300  }
0x2: {  	v0 =	vlaneseq.u32;
	vm2 =	vcmask $0x704;
	vm3 =	vcmask $0x2B28  }
0x3: {  	vm0 =	vmor vm1, vm0;
	vm1 =	vcmask $0x1310;
	v0 =	vshrl.u32 v0, $0x1  }
0x4: {  	vm0 =	vmor vm0, vm1;
	vm1 =	vcmask $0x1B18;
	v0 =	vmul.u32 $0x8, v0  }
0x5: {  	v1 =	vimm.f32 $0.0e+00;
	vm0 =	vmor vm0, vm1;
	vm1 =	vcmask $0x2320  }
0x6: {  	s3 =	rddreg [dreg:$0x0];
	vm0 =	vmor vm0, vm1;
	vm1 =	vcmask $0xF0C;
	v2 =	vor.u32 $0x40, v0  }
0x7: {  	s1 =	srdreg.scid;
	s0 =	stileid.u32;
	v3 =	vor.u32 $0x80, v0;
	v4 =	vor.u32 $0xC0, v0;
	v5 =	vor.u32 $0x100, v0  }
0x8: {  	s5 =	rddreg [dreg:$0x1];
	s2 =	simm.s32 $0x0;
	s9 =	simm.s32 $0x100;
	v6 =	vor.u32 $0x140, v0;
	vm1 =	vmor vm2, vm1;
	vm2 =	vcmask $0x1714  }
0x9: {  	s4 =	sand.u32 $0x1, s1;
	s6 =	sshll.u32 s0, $0x1;
	s1 =	rddreg [dreg:$0x2];
	v7 =	vor.u32 $0x180, v0;
	vm1 =	vmor vm1, vm2;
	vm2 =	vcmask $0x1F1C  }
0xa: {  	[smem:$0x7FF] =	sst s2;
	s6 =	sor.u32 s4, s6;
	s4 =	ssub.s32 $0x2, s4;
	vm0 =	vmor vm0, vm3;
	vm1 =	vmor vm1, vm2;
	vm2 =	vcmask $0x2724  }
0xb: {  	_ =	strace $0x80000047;
	s7 =	sshll.u32 s6, $0x4;
	s31 =	sshrl.u32 s4, $0x1;
	vm3 =	vcmask $0x3330;
	vm1 =	vmor vm1, vm2;
	vm2 =	vcmask $0x2F2C  }
0xc: {  	s6 =	sshll.u32 s6, $0x6;
	s7 =	sadd.s32 s7, s3;
	s8 =	ssub.s32 s4, s31;
	vm0 =	vmor vm0, vm3;
	vm1 =	vmor vm1, vm2;
	vm2 =	vcmask $0x3734  }
0xd: {  	s5 =	sadd.s32 s5, s6;
	s3 =	sadd.s32 $0x400, s7;
	s4 =	sadd.s32 $0x600, s7;
	vm3 =	vcmask $0x3B38;
	vm1 =	vmor vm1, vm2;
	vm2 =	vcmask $0x3F3C  }
0xe: {  	v8 =	vor.u32 $0x1C0, v0;
	s6 =	smax.u32 s8, $0x1;
	s7 =	simm.s32 $0x1;
	s8 =	simm.s32 $0x80;
	vm0 =	vmor vm0, vm3;
	vm1 =	vmor vm1, vm2  }
.LBB2_1:
0xf: {  	[tilespmem:s2], [sflag:$0x1] =	stream.linear.gather [hbm4b:s3+s2], $0x80, $0x38;
	[tilespmem:$0x300] =	vst v63  }
0x10: {  	_ =	swait.ge [sflag:s7], $0x80  }
0x11: {  	[sflag:s7] =	ssyncset.done $0x0  }
0x12: {  	[sflag:s7] =	ssyncadd.s32 $0xFFFFFF80  }
0x13: {  	[tilespmem:s8], [sflag:$0x1] =	stream.linear.gather [hbm4b:s4+s2], $0x80, $0x38;
	[tilespmem:$0x300] =	vst v63  }
0x14: {  	_ =	swait.ge [sflag:s7], $0x80  }
0x15: {  	[sflag:s7] =	ssyncset.done $0x0  }
0x16: {  	[sflag:s7] =	ssyncadd.s32 $0xFFFFFF80  }
0x17: {  	[tilespmem:$0x100] =	vst v1  }
0x18: {  	[tilespmem:$0x110] =	vst v1  }
0x19: {  	[tilespmem:$0x120] =	vst v1  }
0x1a: {  	[tilespmem:$0x130] =	vst v1  }
0x1b: {  	[tilespmem:$0x140] =	vst v1  }
0x1c: {  	[tilespmem:$0x150] =	vst v1  }
0x1d: {  	[tilespmem:$0x160] =	vst v1  }
0x1e: {  	[tilespmem:$0x170] =	vst v1  }
0x1f: {  	[tilespmem:$0x180] =	vst v1  }
0x20: {  	[tilespmem:$0x190] =	vst v1  }
0x21: {  	[tilespmem:$0x1A0] =	vst v1  }
0x22: {  	[tilespmem:$0x1B0] =	vst v1  }
0x23: {  	[tilespmem:$0x1C0] =	vst v1  }
0x24: {  	[tilespmem:$0x1D0] =	vst v1  }
0x25: {  	[tilespmem:$0x1E0] =	vst v1  }
0x26: {  	[tilespmem:$0x1F0] =	vst v1  }
0x27: {  	[tilespmem:$0x200] =	vst v1  }
0x28: {  	[tilespmem:$0x210] =	vst v1  }
0x29: {  	[tilespmem:$0x220] =	vst v1  }
0x2a: {  	[tilespmem:$0x230] =	vst v1  }
0x2b: {  	[tilespmem:$0x240] =	vst v1  }
0x2c: {  	[tilespmem:$0x250] =	vst v1  }
0x2d: {  	[tilespmem:$0x260] =	vst v1;
	v9 =	vld [tilespmem:$0x0]  }
0x2e: {  	[tilespmem:$0x270] =	vst v1  }
0x2f: {  	[tilespmem:$0x280] =	vst v1  }
0x30: {  	[tilespmem:$0x290] =	vst v1  }
0x31: {  	[tilespmem:$0x2A0] =	vst v1  }
0x32: {  	[tilespmem:$0x2B0] =	vst v1;
	v10 =	vld [tilespmem:$0x80];
	v9 =	vadd.s32 v0, v9  }
0x33: {  	[tilespmem:$0x2C0] =	vst v1  }
0x34: {  	[tilespmem:$0x2D0] =	vst v1  }
0x35: {  	[tilespmem:$0x2E0] =	vst v1  }
0x36: {  	[tilespmem:$0x2F0] =	vst v1  }
0x37: {  	[tilespmem:v9+s9+$0x0] =	vst.idx.add.f32.msk vm0, v10  }
0x38: {  	[tilespmem:v9+s9+$0x0] =	vst.idx.add.f32.msk vm1, v10  }
0x39: {  	v9 =	vld [tilespmem:$0x10];
	_ =	sdelay $0x4  }
0x3a: {  	v10 =	vld [tilespmem:$0x90];
	v9 =	vadd.s32 v2, v9;
	_ =	sdelay $0x4  }
0x3b: {  	[tilespmem:v9+s9+$0x0] =	vst.idx.add.f32.msk vm0, v10  }
0x3c: {  	[tilespmem:v9+s9+$0x0] =	vst.idx.add.f32.msk vm1, v10  }
0x3d: {  	v9 =	vld [tilespmem:$0x20];
	_ =	sdelay $0x4  }
0x3e: {  	v10 =	vld [tilespmem:$0xA0];
	v9 =	vadd.s32 v3, v9;
	_ =	sdelay $0x4  }
0x3f: {  	[tilespmem:v9+s9+$0x0] =	vst.idx.add.f32.msk vm0, v10  }
0x40: {  	[tilespmem:v9+s9+$0x0] =	vst.idx.add.f32.msk vm1, v10  }
0x41: {  	v9 =	vld [tilespmem:$0x30];
	_ =	sdelay $0x4  }
0x42: {  	v10 =	vld [tilespmem:$0xB0];
	v9 =	vadd.s32 v4, v9;
	_ =	sdelay $0x4  }
0x43: {  	[tilespmem:v9+s9+$0x0] =	vst.idx.add.f32.msk vm0, v10  }
0x44: {  	[tilespmem:v9+s9+$0x0] =	vst.idx.add.f32.msk vm1, v10  }
0x45: {  	v9 =	vld [tilespmem:$0x40];
	_ =	sdelay $0x4  }
0x46: {  	v10 =	vld [tilespmem:$0xC0];
	v9 =	vadd.s32 v5, v9;
	_ =	sdelay $0x4  }
0x47: {  	[tilespmem:v9+s9+$0x0] =	vst.idx.add.f32.msk vm0, v10  }
0x48: {  	[tilespmem:v9+s9+$0x0] =	vst.idx.add.f32.msk vm1, v10  }
0x49: {  	v9 =	vld [tilespmem:$0x50];
	_ =	sdelay $0x4  }
0x4a: {  	v10 =	vld [tilespmem:$0xD0];
	v9 =	vadd.s32 v6, v9;
	_ =	sdelay $0x4  }
0x4b: {  	[tilespmem:v9+s9+$0x0] =	vst.idx.add.f32.msk vm0, v10  }
0x4c: {  	[tilespmem:v9+s9+$0x0] =	vst.idx.add.f32.msk vm1, v10  }
0x4d: {  	v9 =	vld [tilespmem:$0x60];
	_ =	sdelay $0x4  }
0x4e: {  	v10 =	vld [tilespmem:$0xE0];
	v9 =	vadd.s32 v7, v9;
	_ =	sdelay $0x4  }
0x4f: {  	[tilespmem:v9+s9+$0x0] =	vst.idx.add.f32.msk vm0, v10  }
0x50: {  	[tilespmem:v9+s9+$0x0] =	vst.idx.add.f32.msk vm1, v10  }
0x51: {  	v9 =	vld [tilespmem:$0x70];
	_ =	sdelay $0x4  }
0x52: {  	v10 =	vld [tilespmem:$0xF0];
	v9 =	vadd.s32 v8, v9;
	_ =	sdelay $0x4  }
0x53: {  	p0 =	sne.s32 s6, $0x1;
	[tilespmem:v9+s9+$0x0] =	vst.idx.add.f32.msk vm0, v10  }
.Ltmp0:
0x54: {  	[tilespmem:v9+s9+$0x0] =	vst.idx.add.f32.msk vm1, v10;
	(pc) =	sbr.rel @p0 .LBB2_1-.Ltmp0, $4  }
0x55: {  	[hbm4b:s5+s2] =	stream.linear.scatter [tilespmem:s9], [sflag:$0x1], $0x200, $0x38;
	[tilespmem:$0x300] =	vst v63  }
0x56: {  	_ =	swait.ge [sflag:s7], $0x200  }
0x57: {  	[sflag:s7] =	ssyncset.done $0x0  }
0x58: {  	s6 =	sadd.s32 $0xFFFFFFFF, s6;
	[sflag:s7] =	ssyncadd.s32 $0xFFFFFE00  }
0x59: {  	_ =	sfence.sel $0x180000  }
0x5a: {  	[bflag:$0x0] =	sbarrier.arrive $0xFFFF  }
0x5b: {  	p0 =	sne.s32 s0, $0x0;
	_ =	strace $0x90000047  }
0x5c: {  	s0 =	sadd.s32 @!p0 $0x100000, s1;
	[bflag:$0x2] =	sbarrier.arrive $0xFFFF  }
0x5d: {  	[sflag:s0] =	ssyncadd.tile.s32 @!p0 $0x1;
	_ =	shalt  }
.Lfunc_end2:
_tile_overlayer_lowered:
.L_overlay_start_2:
0x5e: {  	(tag) =	ssettag $0x2  }
0x5f: {  	s0 =	rddreg [dreg:$0x0];
	s2 =	stileid.u32  }
0x60: {  	s1 =	rddreg [dreg:$0x1];
	p0 =	sne.s32 s2, $0x0  }
0x61: {  	s3 =	rddreg [dreg:$0x2];
	[bflag:$0x3] =	sbarrier.arrive $0xFFFF;
	s2 =	simm.s32 @!p0 $0x1C01  }
0x62: {  	[timem:s3], [sflag:s2] =	dma.local @!p0 [hbm:s0], s1  }
0x63: {  	s0 =	simm.s32 @!p0 $0x1  }
0x64: {  	_ =	swait.ge @!p0 [sflag:s0], s1  }
0x65: {  	s1 =	ssub.s32 @!p0 $0x0, s1;
	[sflag:s0] =	ssyncset.done @!p0 $0x0  }
0x66: {  	[sflag:s0] =	ssyncadd.s32 @!p0 s1  }
0x67: {  	[bflag:$0x3] =	sbarrier.arrive $0xFFFF  }
0x68: {  	_ =	shalt  }

</sc_bundles>
